<compile_context>
chip_gen: v7x
topology: tpu7x:2x2x1
jax: 0.10.2.dev20260603
libtpu: 0.0.44.dev20260713+nightly
codegen_flags: <defaults>
</compile_context>

<pallas_src>
import functools

import jax
import jax.numpy as jnp
from jax import lax
from jax.experimental import pallas as pl
from jax.experimental.pallas import tpu as pltpu
from jax.experimental.pallas import tpu_sc as plsc

_EPS = 1e-5
_K = 20
_B = 8
_N = 1024
_NEG = -3.0e38
_S = _K * _N
_NSAMP14 = float(_B * _S)
_NSAMP5 = float(_B * _N)


_RT = 128
_NRT = _N // _RT


def _stage_a_body(x_ref, w1_ref, idx_ref, p_ref, q_ref, s1_ref, ss1_ref,
                  d_ref, osum_ref):
    b = pl.program_id(0)
    r = pl.program_id(1)
    x = x_ref[0]
    w1 = w1_ref[...]
    p = lax.dot_general(x, w1[:, 0:3], (((1,), (1,)), ((), ())),
                        preferred_element_type=jnp.float32)
    xr = x_ref[0, pl.ds(r * _RT, _RT), :]
    qr = lax.dot_general(xr, w1[:, 3:6], (((1,), (1,)), ((), ())),
                         preferred_element_type=jnp.float32)
    xx2 = x * x
    xsq_col = jnp.sum(xr * xr, axis=1, keepdims=True)
    ones3 = jnp.ones((1, 3), jnp.float32)
    xsq_row = lax.dot_general(ones3, xx2, (((1,), (1,)), ((), ())),
                              precision=lax.Precision.HIGHEST,
                              preferred_element_type=jnp.float32)
    raw = lax.dot_general(xr.astype(jnp.bfloat16), x.astype(jnp.bfloat16),
                          (((1,), (1,)), ((), ())),
                          preferred_element_type=jnp.float32)
    d_ref[...] = (2.0 * raw - xsq_col) - xsq_row
    osum_ref[...] = jnp.zeros((_RT, _N), jnp.float32)
    iota = lax.broadcasted_iota(jnp.int32, (_RT, _N), 1)
    off = b * _N

    def jbody(j, carry):
        dcur = d_ref[...]
        m = jnp.max(dcur, axis=1, keepdims=True)
        cand = jnp.where(dcur >= m, iota, _N)
        am = jnp.min(cand, axis=1, keepdims=True)
        onehot = iota == am
        idx_ref[0, pl.ds(j * _N + r * _RT, _RT), :] = am + off
        osum_ref[...] += onehot.astype(jnp.float32)
        d_ref[...] = jnp.where(onehot, _NEG, dcur)
        return carry

    lax.fori_loop(0, _K, jbody, 0)

    @pl.when(r == 0)
    def _():
        q = lax.dot_general(x, w1[:, 3:6], (((1,), (1,)), ((), ())),
                            preferred_element_type=jnp.float32)
        p_ref[0, :, 0:64] = p
        p_ref[0, :, 64:128] = jnp.zeros((_N, 64), jnp.float32)
        q_ref[0] = q
        s1_ref[0] = float(_K) * jnp.sum(q, axis=0, keepdims=True)
        ss1_ref[0] = float(_K) * jnp.sum(q * q, axis=0, keepdims=True)

    osum = osum_ref[...]
    nbrp = lax.dot_general(osum, p, (((1,), (0,)), ((), ())),
                           preferred_element_type=jnp.float32)
    cnt = jnp.sum(osum, axis=0, keepdims=True)
    s1_ref[0] += jnp.sum(nbrp, axis=0, keepdims=True)
    ss1_ref[0] += (lax.dot_general(cnt, p * p, (((1,), (0,)), ((), ())),
                                   preferred_element_type=jnp.float32)
                   + 2.0 * jnp.sum(nbrp * qr, axis=0, keepdims=True))


_stage_a = pl.pallas_call(
    _stage_a_body,
    grid=(_B, _NRT),
    in_specs=[
        pl.BlockSpec((1, _N, 3), lambda b, r: (b, 0, 0)),
        pl.BlockSpec((64, 6), lambda b, r: (0, 0)),
    ],
    out_specs=[
        pl.BlockSpec((1, _S, 1), lambda b, r: (b, 0, 0)),
        pl.BlockSpec((1, _N, 128), lambda b, r: (b, 0, 0)),
        pl.BlockSpec((1, _N, 64), lambda b, r: (b, 0, 0)),
        pl.BlockSpec((1, 1, 64), lambda b, r: (b, 0, 0)),
        pl.BlockSpec((1, 1, 64), lambda b, r: (b, 0, 0)),
    ],
    out_shape=[
        jax.ShapeDtypeStruct((_B, _S, 1), jnp.int32),
        jax.ShapeDtypeStruct((_B, _N, 128), jnp.float32),
        jax.ShapeDtypeStruct((_B, _N, 64), jnp.float32),
        jax.ShapeDtypeStruct((_B, 1, 64), jnp.float32),
        jax.ShapeDtypeStruct((_B, 1, 64), jnp.float32),
    ],
    scratch_shapes=[
        pltpu.VMEM((_RT, _N), jnp.float32),
        pltpu.VMEM((_RT, _N), jnp.float32),
    ],
)


def _sc_gather(table, idx):
    total = idx.shape[0]
    nw = 32
    per_w = total // nw
    chunk = 128
    nchunks = per_w // chunk
    mesh = plsc.VectorSubcoreMesh(core_axis_name="c", subcore_axis_name="s")

    @functools.partial(
        pl.kernel, mesh=mesh,
        out_type=jax.ShapeDtypeStruct((total, 128), jnp.float32),
        scratch_types=[
            pltpu.VMEM((chunk,), jnp.int32),
            pltpu.VMEM((chunk, 128), jnp.float32),
            pltpu.SemaphoreType.DMA,
        ],
    )
    def gather_kernel(table_hbm, idx_hbm, out_hbm, idx_v, rows_v, sem):
        wid = lax.axis_index("s") * 2 + lax.axis_index("c")
        base0 = wid * per_w

        def body(i, carry):
            base = base0 + i * chunk
            pltpu.sync_copy(idx_hbm.at[pl.ds(base, chunk)], idx_v)
            pltpu.async_copy(table_hbm.at[idx_v], rows_v, sem).wait()
            pltpu.sync_copy(rows_v, out_hbm.at[pl.ds(base, chunk)])
            return carry

        lax.fori_loop(0, nchunks, body, 0)

    return gather_kernel(table, idx)


def _make_mid_stage(cin, cout, with_q, emit_minmax, in_width=None):

    def body(*refs):
        i = 0
        a_ref = refs[i]; i += 1
        if with_q:
            q_ref = refs[i]; i += 1
        s_ref = refs[i]; i += 1
        ss_ref = refs[i]; i += 1
        g_ref = refs[i]; i += 1
        bb_ref = refs[i]; i += 1
        w_ref = refs[i]; i += 1
        if emit_minmax:
            hmax_ref = refs[i]; i += 1
            amax_ref = refs[i]; i += 1
            amin_ref = refs[i]; i += 1
        else:
            anext_ref = refs[i]; i += 1
            hmax_ref = refs[i]; i += 1
        snext_ref = refs[i]; i += 1
        ssnext_ref = refs[i]; i += 1
        scale_ref = refs[i]; i += 1
        shift_ref = refs[i]; i += 1

        b = pl.program_id(0)
        j = pl.program_id(1)

        @pl.when(jnp.logical_and(b == 0, j == 0))
        def _():
            s = jnp.sum(s_ref[...], axis=0)
            ss = jnp.sum(ss_ref[...], axis=0)
            mean = s / _NSAMP14
            var = ss / _NSAMP14 - mean * mean
            scale = g_ref[...] * lax.rsqrt(var + _EPS)
            scale_ref[...] = scale
            shift_ref[...] = bb_ref[...] - mean * scale

        a = a_ref[0][:, 0:cin]
        if with_q:
            a = a + q_ref[0]
        h = jnp.maximum(a * scale_ref[...] + shift_ref[...], 0.0)
        anext = lax.dot_general(h, w_ref[...], (((1,), (1,)), ((), ())),
                                preferred_element_type=jnp.float32)

        @pl.when(j == 0)
        def _():
            hmax_ref[0] = h
            snext_ref[0] = jnp.zeros((1, cout), jnp.float32)
            ssnext_ref[0] = jnp.zeros((1, cout), jnp.float32)
            if emit_minmax:
                amax_ref[0] = anext
                amin_ref[0] = anext

        @pl.when(j > 0)
        def _():
            hmax_ref[0] = jnp.maximum(hmax_ref[0], h)
            if emit_minmax:
                amax_ref[0] = jnp.maximum(amax_ref[0], anext)
                amin_ref[0] = jnp.minimum(amin_ref[0], anext)

        if not emit_minmax:
            anext_ref[0] = anext
        snext_ref[0] += jnp.sum(anext, axis=0, keepdims=True)
        ssnext_ref[0] += jnp.sum(anext * anext, axis=0, keepdims=True)

    in_specs = [pl.BlockSpec((1, _N, in_width or cin), lambda b, j: (b, j, 0))]
    if with_q:
        in_specs.append(pl.BlockSpec((1, _N, cin), lambda b, j: (b, 0, 0)))
    in_specs += [
        pl.BlockSpec((_B, 1, cin), lambda b, j: (0, 0, 0)),
        pl.BlockSpec((_B, 1, cin), lambda b, j: (0, 0, 0)),
        pl.BlockSpec((1, cin), lambda b, j: (0, 0)),
        pl.BlockSpec((1, cin), lambda b, j: (0, 0)),
        pl.BlockSpec((cout, cin), lambda b, j: (0, 0)),
    ]
    if emit_minmax:
        out_specs = [
            pl.BlockSpec((1, _N, cin), lambda b, j: (b, 0, 0)),
            pl.BlockSpec((1, _N, cout), lambda b, j: (b, 0, 0)),
            pl.BlockSpec((1, _N, cout), lambda b, j: (b, 0, 0)),
            pl.BlockSpec((1, 1, cout), lambda b, j: (b, 0, 0)),
            pl.BlockSpec((1, 1, cout), lambda b, j: (b, 0, 0)),
        ]
        out_shape = [
            jax.ShapeDtypeStruct((_B, _N, cin), jnp.float32),
            jax.ShapeDtypeStruct((_B, _N, cout), jnp.float32),
            jax.ShapeDtypeStruct((_B, _N, cout), jnp.float32),
            jax.ShapeDtypeStruct((_B, 1, cout), jnp.float32),
            jax.ShapeDtypeStruct((_B, 1, cout), jnp.float32),
        ]
    else:
        out_specs = [
            pl.BlockSpec((1, _N, cout), lambda b, j: (b, j, 0)),
            pl.BlockSpec((1, _N, cin), lambda b, j: (b, 0, 0)),
            pl.BlockSpec((1, 1, cout), lambda b, j: (b, 0, 0)),
            pl.BlockSpec((1, 1, cout), lambda b, j: (b, 0, 0)),
        ]
        out_shape = [
            jax.ShapeDtypeStruct((_B, _S, cout), jnp.float32),
            jax.ShapeDtypeStruct((_B, _N, cin), jnp.float32),
            jax.ShapeDtypeStruct((_B, 1, cout), jnp.float32),
            jax.ShapeDtypeStruct((_B, 1, cout), jnp.float32),
        ]
    return pl.pallas_call(
        body,
        grid=(_B, _K),
        in_specs=in_specs,
        out_specs=out_specs,
        out_shape=out_shape,
        scratch_shapes=[
            pltpu.VMEM((1, cin), jnp.float32),
            pltpu.VMEM((1, cin), jnp.float32),
        ],
    )


_stage_c = _make_mid_stage(64, 64, with_q=True, emit_minmax=False, in_width=128)
_stage_d = _make_mid_stage(64, 128, with_q=False, emit_minmax=False)
_stage_e = _make_mid_stage(128, 256, with_q=False, emit_minmax=True)


def _stage_f_body(o1_ref, o2_ref, o3_ref, amax_ref, amin_ref, s4_ref, ss4_ref,
                  g_ref, bb_ref, z_ref, sz_ref, sumz_ref, scale_ref, shift_ref):
    b = pl.program_id(0)

    @pl.when(b == 0)
    def _():
        s = jnp.sum(s4_ref[...], axis=0)
        ss = jnp.sum(ss4_ref[...], axis=0)
        mean = s / _NSAMP14
        var = ss / _NSAMP14 - mean * mean
        scale = g_ref[...] * lax.rsqrt(var + _EPS)
        scale_ref[...] = scale
        shift_ref[...] = bb_ref[...] - mean * scale

    scale = scale_ref[...]
    apool = jnp.where(scale >= 0.0, amax_ref[0], amin_ref[0])
    out4 = jnp.maximum(apool * scale + shift_ref[...], 0.0)
    z = jnp.concatenate([o1_ref[0], o2_ref[0], o3_ref[0], out4], axis=1)
    z_ref[0] = z
    sz_ref[0] = lax.dot_general(z, z, (((0,), (0,)), ((), ())),
                                preferred_element_type=jnp.float32)
    sumz_ref[0] = jnp.sum(z, axis=0, keepdims=True)


_stage_f = pl.pallas_call(
    _stage_f_body,
    grid=(_B,),
    in_specs=[
        pl.BlockSpec((1, _N, 64), lambda b: (b, 0, 0)),
        pl.BlockSpec((1, _N, 64), lambda b: (b, 0, 0)),
        pl.BlockSpec((1, _N, 128), lambda b: (b, 0, 0)),
        pl.BlockSpec((1, _N, 256), lambda b: (b, 0, 0)),
        pl.BlockSpec((1, _N, 256), lambda b: (b, 0, 0)),
        pl.BlockSpec((_B, 1, 256), lambda b: (0, 0, 0)),
        pl.BlockSpec((_B, 1, 256), lambda b: (0, 0, 0)),
        pl.BlockSpec((1, 256), lambda b: (0, 0)),
        pl.BlockSpec((1, 256), lambda b: (0, 0)),
    ],
    out_specs=[
        pl.BlockSpec((1, _N, 512), lambda b: (b, 0, 0)),
        pl.BlockSpec((1, 512, 512), lambda b: (b, 0, 0)),
        pl.BlockSpec((1, 1, 512), lambda b: (b, 0, 0)),
    ],
    out_shape=[
        jax.ShapeDtypeStruct((_B, _N, 512), jnp.float32),
        jax.ShapeDtypeStruct((_B, 512, 512), jnp.float32),
        jax.ShapeDtypeStruct((_B, 1, 512), jnp.float32),
    ],
    scratch_shapes=[
        pltpu.VMEM((1, 256), jnp.float32),
        pltpu.VMEM((1, 256), jnp.float32),
    ],
)


def _stage_g_body(z_ref, sz_ref, sumz_ref, w5_ref, g_ref, bb_ref, y_ref,
                  scale_ref, shift_ref):
    b = pl.program_id(0)

    @pl.when(b == 0)
    def _():
        smat = jnp.sum(sz_ref[...], axis=0) / _NSAMP5
        mu = jnp.sum(sumz_ref[...], axis=0) / _NSAMP5
        w5 = w5_ref[...]
        ws = lax.dot_general(w5, smat, (((1,), (0,)), ((), ())),
                             preferred_element_type=jnp.float32)
        ey2 = jnp.sum(ws * w5, axis=1, keepdims=True)
        mean = lax.dot_general(w5, mu, (((1,), (1,)), ((), ())),
                               preferred_element_type=jnp.float32)
        var = ey2 - mean * mean
        scale = g_ref[...] * lax.rsqrt(var + _EPS)
        scale_ref[...] = scale
        shift_ref[...] = bb_ref[...] - mean * scale

    a5 = lax.dot_general(w5_ref[...], z_ref[0], (((1,), (1,)), ((), ())),
                         preferred_element_type=jnp.float32)
    y_ref[0] = jnp.maximum(a5 * scale_ref[...] + shift_ref[...], 0.0)


_stage_g = pl.pallas_call(
    _stage_g_body,
    grid=(_B,),
    in_specs=[
        pl.BlockSpec((1, _N, 512), lambda b: (b, 0, 0)),
        pl.BlockSpec((_B, 512, 512), lambda b: (0, 0, 0)),
        pl.BlockSpec((_B, 1, 512), lambda b: (0, 0, 0)),
        pl.BlockSpec((1024, 512), lambda b: (0, 0)),
        pl.BlockSpec((1024, 1), lambda b: (0, 0)),
        pl.BlockSpec((1024, 1), lambda b: (0, 0)),
    ],
    out_specs=[pl.BlockSpec((1, 1024, _N), lambda b: (b, 0, 0))],
    out_shape=[jax.ShapeDtypeStruct((_B, 1024, _N), jnp.float32)],
    scratch_shapes=[
        pltpu.VMEM((1024, 1), jnp.float32),
        pltpu.VMEM((1024, 1), jnp.float32),
    ],
)


def kernel(input_data, W1, W2, W3, W4, W5,
           g1, b1, g2, b2, g3, b3, g4, b4, g5, b5):
    idx, p, q, s1, ss1 = _stage_a(input_data, W1)
    g = _sc_gather(p.reshape(_B * _N, 128), idx.reshape(_B * _S))
    a2, out1, s2, ss2 = _stage_c(
        g.reshape(_B, _S, 128), q, s1, ss1,
        g1.reshape(1, 64), b1.reshape(1, 64), W2)
    a3, out2, s3, ss3 = _stage_d(
        a2, s2, ss2, g2.reshape(1, 64), b2.reshape(1, 64), W3)
    out3, a4max, a4min, s4, ss4 = _stage_e(
        a3, s3, ss3, g3.reshape(1, 128), b3.reshape(1, 128), W4)
    z, sz, sumz = _stage_f(
        out1, out2, out3, a4max, a4min, s4, ss4,
        g4.reshape(1, 256), b4.reshape(1, 256))
    (y,) = _stage_g(z, sz, sumz, W5, g5.reshape(1024, 1), b5.reshape(1024, 1))
    return y

# --- scband reference (transcript-rebuilt; emitter-appended) ---
"""Pipeline reference for scband-dgcnn-3444563771744 (READ-ONLY COPY).

The authoritative reference and input builder live on the scoring server;
editing this copy changes nothing except your own understanding.
"""

import jax, jax.numpy as jnp
import numpy as np

EPS = 1e-5
K = 20

def knn(x, k):
    # x: [B, C, N]
    inner = -2.0 * jnp.einsum('bcn,bcm->bnm', x, x)
    xx = jnp.sum(x ** 2, axis=1)  # [B, N]
    pairwise = -xx[:, :, None] - inner - xx[:, None, :]
    idx = jax.lax.top_k(pairwise, k)[1]  # [B, N, k]
    return idx

def get_graph_feature(x, k=K):
    # x: [B, C, N]
    idx = knn(x, k)
    x_bnc = jnp.transpose(x, (0, 2, 1))  # [B, N, C]
    feature = jax.vmap(lambda xb, ib: xb[ib])(x_bnc, idx)  # [B, N, k, C]
    center = jnp.broadcast_to(x_bnc[:, :, None, :], feature.shape)
    f = jnp.concatenate([feature, center], axis=-1)  # [B, N, k, 2C]
    return jnp.transpose(f, (0, 3, 1, 2))  # [B, 2C, N, k]

def conv1x1(x, W):
    # W: [O, C], x: [B, C, N, k]
    return jnp.einsum('oc,bcnk->bonk', W, x)

def bn(x, g, b):
    m = jnp.mean(x, axis=(0, 2, 3), keepdims=True)
    v = jnp.mean((x - m) ** 2, axis=(0, 2, 3), keepdims=True)
    return (x - m) / jnp.sqrt(v + EPS) * g.reshape(1, -1, 1, 1) + b.reshape(1, -1, 1, 1)

def setup_inputs(seed: int = 0):
    key = jax.random.key(seed)
    ks = jax.random.split(key, 16)
    B, N = 8, 1024
    emb = 1024
    def w(k, o, i):
        return jax.random.normal(k, (o, i), dtype=jnp.float32) * (1.0 / np.sqrt(i))
    inp = {
        'input_data': jax.random.normal(ks[0], (B, N, 3), dtype=jnp.float32),
        'W1': w(ks[1], 64, 6),
        'W2': w(ks[2], 64, 64),
        'W3': w(ks[3], 128, 64),
        'W4': w(ks[4], 256, 128),
        'W5': w(ks[5], emb, 512),
        'g1': jnp.ones((64,), jnp.float32), 'b1': jnp.zeros((64,), jnp.float32),
        'g2': jnp.ones((64,), jnp.float32), 'b2': jnp.zeros((64,), jnp.float32),
        'g3': jnp.ones((128,), jnp.float32), 'b3': jnp.zeros((128,), jnp.float32),
        'g4': jnp.ones((256,), jnp.float32), 'b4': jnp.zeros((256,), jnp.float32),
        'g5': jnp.ones((emb,), jnp.float32), 'b5': jnp.zeros((emb,), jnp.float32),
    }
    return inp

def reference(input_data, W1, W2, W3, W4, W5, g1, b1, g2, b2, g3, b3, g4, b4, g5, b5):
    # input_shape == 'bnc'
    x = jnp.transpose(input_data, (0, 2, 1))  # [B, 3, N]
    batch_size, num_dims, num_points = x.shape
    out = get_graph_feature(x)                      # [B, 6, N, k]
    out = jax.nn.relu(bn(conv1x1(out, W1), g1, b1))
    out1 = jnp.max(out, axis=-1, keepdims=True)
    out = jax.nn.relu(bn(conv1x1(out, W2), g2, b2))
    out2 = jnp.max(out, axis=-1, keepdims=True)
    out = jax.nn.relu(bn(conv1x1(out, W3), g3, b3))
    out3 = jnp.max(out, axis=-1, keepdims=True)
    out = jax.nn.relu(bn(conv1x1(out, W4), g4, b4))
    out4 = jnp.max(out, axis=-1, keepdims=True)
    out = jnp.concatenate([out1, out2, out3, out4], axis=1)  # [B, 512, N, 1]
    out = jax.nn.relu(bn(conv1x1(out, W5), g5, b5))
    return out.reshape(batch_size, -1, num_points)

if __name__ == "__main__":
    import jax
    _d = setup_inputs()
    print(jax.jit(kernel)(*tuple(_d.values())))

</pallas_src>

<mosaic_0001>
#map = affine_map<(d0, d1) -> (0, 0)>
#map1 = affine_map<(d0, d1) -> (0)>
module attributes {stable_mosaic.version = 14 : i64} {
  func.func @gather_kernel(%arg0: i32, %arg1: i32, %arg2: memref<8192x128xf32, #tpu.memory_space<hbm>>, %arg3: memref<163840xi32, #tpu.memory_space<hbm>>, %arg4: memref<163840x128xf32, #tpu.memory_space<hbm>>, %arg5: memref<128xi32, #tpu.memory_space<vmem>>, %arg6: memref<128x128xf32, #tpu.memory_space<vmem>>, %arg7: memref<!tpu.dma_semaphore, #tpu.memory_space<semaphore_mem>>) attributes {dimension_semantics = [#tpu.dimension_semantics<core_parallel>, #tpu.dimension_semantics<subcore_parallel>], iteration_bounds = array<i64: 2, 16>, scalar_prefetch = 0 : i64, scratch_operands = 3 : i64, tpu.core_type = #tpu.core_type<sc_vector_subcore>, window_params = [{transform_indices = #map}, {transform_indices = #map1}, {transform_indices = #map}]} {
    %mul3A = arith.constant 2 : i32
    %mul3A_0 = arith.muli %arg1, %mul3A : i32
    %add3A = arith.addi %mul3A_0, %arg0 : i32
    %mul3A_1 = arith.constant 5120 : i32
    %mul3A_2 = arith.muli %add3A, %mul3A_1 : i32
    %scan3A = arith.constant 0 : i32
    %scan3A_3 = arith.constant 0 : i32
    %scan3A_4 = arith.constant 40 : i32
    %scan3A_5 = arith.addi %scan3A_3, %scan3A_4 : i32
    %scan3A_6 = arith.constant 1 : i32
    scf.for %scan3A_8 = %scan3A_3 to %scan3A_5 step %scan3A_6  : i32 {
      %mul3A_9 = arith.constant 128 : i32
      %mul3A_10 = arith.muli %scan3A_8, %mul3A_9 : i32
      %add3A_11 = arith.addi %mul3A_2, %mul3A_10 : i32
      "tpu.region"() ({
        %run_scoped3A = tpu.sem_alloc : memref<!tpu.dma_semaphore, #tpu.memory_space<semaphore_mem>>
        %dma_start3A_16 = tpu.memref_slice %arg3[%add3A_11] : memref<163840xi32, #tpu.memory_space<hbm>> -> memref<128xi32, #tpu.memory_space<hbm>>
        %dma_start3A_17 = tpu.memref_slice %arg3[%add3A_11] : memref<163840xi32, #tpu.memory_space<hbm>> -> memref<128xi32, #tpu.memory_space<hbm>>
        tpu.enqueue_dma source(%dma_start3A_17 : memref<128xi32, #tpu.memory_space<hbm>>) target(%arg5 : memref<128xi32, #tpu.memory_space<vmem>>) target_semaphore(%run_scoped3A : memref<!tpu.dma_semaphore, #tpu.memory_space<semaphore_mem>>)
        %dma_wait3A_18 = tpu.memref_slice %arg3[%add3A_11] : memref<163840xi32, #tpu.memory_space<hbm>> -> memref<128xi32, #tpu.memory_space<hbm>>
        %dma_wait3A_19 = tpu.memref_slice %arg3[%add3A_11] : memref<163840xi32, #tpu.memory_space<hbm>> -> memref<128xi32, #tpu.memory_space<hbm>>
        tpu.wait_dma2 semaphore(%run_scoped3A : memref<!tpu.dma_semaphore, #tpu.memory_space<semaphore_mem>>) src(%dma_wait3A_19 : memref<128xi32, #tpu.memory_space<hbm>>) dst(%arg5 : memref<128xi32, #tpu.memory_space<vmem>>)
        tpu.yield
      }) : () -> ()
      %dma_start3A = arith.constant 0 : i32
      %dma_start3A_12 = arith.constant 0 : i32
      %dma_start3A_13 = tpu.memref_slice %arg2[%dma_start3A, %dma_start3A_12] : memref<8192x128xf32, #tpu.memory_space<hbm>> -> memref<8192x128xf32, #tpu.memory_space<hbm>>
      tpu.enqueue_indirect_dma source(%dma_start3A_13 : memref<8192x128xf32, #tpu.memory_space<hbm>>) target(%arg6 : memref<128x128xf32, #tpu.memory_space<vmem>>) offsets(%arg5 : memref<128xi32, #tpu.memory_space<vmem>>) semaphore(%arg7 : memref<!tpu.dma_semaphore, #tpu.memory_space<semaphore_mem>>)
      %dma_wait3A = arith.constant 0 : i32
      %dma_wait3A_14 = arith.constant 0 : i32
      %dma_wait3A_15 = tpu.memref_slice %arg2[%dma_wait3A, %dma_wait3A_14] : memref<8192x128xf32, #tpu.memory_space<hbm>> -> memref<8192x128xf32, #tpu.memory_space<hbm>>
      tpu.wait_indirect_dma semaphore(%arg7 : memref<!tpu.dma_semaphore, #tpu.memory_space<semaphore_mem>>) src(%dma_wait3A_15 : memref<8192x128xf32, #tpu.memory_space<hbm>>) dst(%arg6 : memref<128x128xf32, #tpu.memory_space<vmem>>)
      "tpu.region"() ({
        %run_scoped3A = tpu.sem_alloc : memref<!tpu.dma_semaphore, #tpu.memory_space<semaphore_mem>>
        %dma_start3A_16 = arith.constant 0 : i32
        %dma_start3A_17 = tpu.memref_slice %arg4[%add3A_11, %dma_start3A_16] : memref<163840x128xf32, #tpu.memory_space<hbm>> -> memref<128x128xf32, #tpu.memory_space<hbm>>
        %dma_start3A_18 = arith.constant 0 : i32
        %dma_start3A_19 = tpu.memref_slice %arg4[%add3A_11, %dma_start3A_18] : memref<163840x128xf32, #tpu.memory_space<hbm>> -> memref<128x128xf32, #tpu.memory_space<hbm>>
        tpu.enqueue_dma source(%arg6 : memref<128x128xf32, #tpu.memory_space<vmem>>) target(%dma_start3A_19 : memref<128x128xf32, #tpu.memory_space<hbm>>) target_semaphore(%run_scoped3A : memref<!tpu.dma_semaphore, #tpu.memory_space<semaphore_mem>>)
        %dma_wait3A_20 = arith.constant 0 : i32
        %dma_wait3A_21 = tpu.memref_slice %arg4[%add3A_11, %dma_wait3A_20] : memref<163840x128xf32, #tpu.memory_space<hbm>> -> memref<128x128xf32, #tpu.memory_space<hbm>>
        %dma_wait3A_22 = arith.constant 0 : i32
        %dma_wait3A_23 = tpu.memref_slice %arg4[%add3A_11, %dma_wait3A_22] : memref<163840x128xf32, #tpu.memory_space<hbm>> -> memref<128x128xf32, #tpu.memory_space<hbm>>
        tpu.wait_dma2 semaphore(%run_scoped3A : memref<!tpu.dma_semaphore, #tpu.memory_space<semaphore_mem>>) src(%arg6 : memref<128x128xf32, #tpu.memory_space<vmem>>) dst(%dma_wait3A_23 : memref<128x128xf32, #tpu.memory_space<hbm>>)
        tpu.yield
      }) : () -> ()
    }
    %scan3A_7 = arith.constant 40 : i32
    return
  }
}

module attributes {stable_mosaic.version = 14 : i64} {
  func.func @_stage_a_body(%arg0: i32, %arg1: i32, %arg2: memref<1x1024x3xf32, #tpu.memory_space<vmem>>, %arg3: memref<64x6xf32, #tpu.memory_space<vmem>>, %arg4: memref<1x20480x1xi32, #tpu.memory_space<vmem>>, %arg5: memref<1x1024x128xf32, #tpu.memory_space<vmem>>, %arg6: memref<1x1024x64xf32, #tpu.memory_space<vmem>>, %arg7: memref<1x1x64xf32, #tpu.memory_space<vmem>>, %arg8: memref<1x1x64xf32, #tpu.memory_space<vmem>>, %arg9: memref<128x1024xf32, #tpu.memory_space<vmem>>, %arg10: memref<128x1024xf32, #tpu.memory_space<vmem>>) attributes {dimension_semantics = [#tpu.dimension_semantics<arbitrary>, #tpu.dimension_semantics<arbitrary>], iteration_bounds = array<i64: 8, 8>, scalar_prefetch = 0 : i64, scratch_operands = 2 : i64, tpu.core_type = #tpu.core_type<tc>, window_params = [{transform_indices = @transform_0, window_bounds = array<i64: 1, 1024, 3>}, {pipeline_mode = #tpu.pipeline_mode<synchronous>, transform_indices = @transform_1, window_bounds = array<i64: 64, 6>}, {transform_indices = @transform_2, window_bounds = array<i64: 1, 20480, 1>}, {transform_indices = @transform_3, window_bounds = array<i64: 1, 1024, 128>}, {transform_indices = @transform_4, window_bounds = array<i64: 1, 1024, 64>}, {transform_indices = @transform_5, window_bounds = array<i64: 1, 1, 64>}, {transform_indices = @transform_6, window_bounds = array<i64: 1, 1, 64>}]} {
    %get3A = arith.constant 0 : index
    %get3A_0 = arith.constant 0 : index
    %get3A_1 = arith.constant 0 : index
    %get3A_2 = vector.load %arg2[%get3A, %get3A_0, %get3A_1] : memref<1x1024x3xf32, #tpu.memory_space<vmem>>, vector<1x1024x3xf32>
    %get3A_3 = vector.shape_cast %get3A_2 : vector<1x1024x3xf32> to vector<1024x3xf32>
    %get3A_4 = arith.constant 0 : index
    %get3A_5 = arith.constant 0 : index
    %get3A_6 = vector.load %arg3[%get3A_4, %get3A_5] : memref<64x6xf32, #tpu.memory_space<vmem>>, vector<64x6xf32>
    %slice3A = vector.extract_strided_slice %get3A_6 {offsets = [0, 0], sizes = [64, 3], strides = [1, 1]} : vector<64x6xf32> to vector<64x3xf32>
    %dot_general3A = arith.constant dense<0.000000e+00> : vector<1024x64xf32>
    %dot_general3A_7 = tpu.matmul %get3A_3, %slice3A, %dot_general3A {dimension_numbers = #tpu.dot_dimension_numbers<[1], [1], [0], [0], [0, 0, 1, 0], [], []>, transpose_lhs_hint = false} : vector<1024x3xf32>, vector<64x3xf32>, vector<1024x64xf32> -> vector<1024x64xf32>
    %mul3A = arith.constant 128 : i32
    %mul3A_8 = arith.muli %arg1, %mul3A : i32
    %get3A_9 = arith.constant 0 : index
    %get3A_10 = arith.index_cast %mul3A_8 : i32 to index
    %get3A_11 = arith.constant 0 : index
    %get3A_12 = vector.load %arg2[%get3A_9, %get3A_10, %get3A_11] : memref<1x1024x3xf32, #tpu.memory_space<vmem>>, vector<1x128x3xf32>
    %get3A_13 = vector.shape_cast %get3A_12 : vector<1x128x3xf32> to vector<128x3xf32>
    %slice3A_14 = vector.extract_strided_slice %get3A_6 {offsets = [0, 3], sizes = [64, 3], strides = [1, 1]} : vector<64x6xf32> to vector<64x3xf32>
    %dot_general3A_15 = arith.constant dense<0.000000e+00> : vector<128x64xf32>
    %dot_general3A_16 = tpu.matmul %get3A_13, %slice3A_14, %dot_general3A_15 {dimension_numbers = #tpu.dot_dimension_numbers<[1], [1], [0], [0], [0, 0, 1, 0], [], []>, transpose_lhs_hint = false} : vector<128x3xf32>, vector<64x3xf32>, vector<128x64xf32> -> vector<128x64xf32>
    %mul3A_17 = arith.mulf %get3A_3, %get3A_3 : vector<1024x3xf32>
    %mul3A_18 = arith.mulf %get3A_13, %get3A_13 : vector<128x3xf32>
    %reduce_sum3A = arith.constant dense<0.000000e+00> : vector<128xf32>
    %reduce_sum3A_19 = vector.multi_reduction <add>, %mul3A_18, %reduce_sum3A [1] : vector<128x3xf32> to vector<128xf32>
    %broadcast_in_dim3A = vector.shape_cast %reduce_sum3A_19 : vector<128xf32> to vector<128x1xf32>
    %broadcast_in_dim3A_20 = arith.constant 1.000000e+00 : f32
    %broadcast_in_dim3A_21 = vector.broadcast %broadcast_in_dim3A_20 : f32 to vector<1x3xf32>
    %dot_general3A_22 = arith.constant dense<0.000000e+00> : vector<1x1024xf32>
    %dot_general3A_23 = tpu.matmul %broadcast_in_dim3A_21, %mul3A_17, %dot_general3A_22 {dimension_numbers = #tpu.dot_dimension_numbers<[1], [1], [0], [0], [0, 0, 1, 0], [], []>, precision = #tpu.contract_precision<fp32>, transpose_lhs_hint = false} : vector<1x3xf32>, vector<1024x3xf32>, vector<1x1024xf32> -> vector<1x1024xf32>
    %convert_element_type3A = arith.truncf %get3A_13 : vector<128x3xf32> to vector<128x3xbf16>
    %convert_element_type3A_24 = arith.truncf %get3A_3 : vector<1024x3xf32> to vector<1024x3xbf16>
    %dot_general3A_25 = arith.constant dense<0.000000e+00> : vector<128x1024xf32>
    %dot_general3A_26 = tpu.matmul %convert_element_type3A, %convert_element_type3A_24, %dot_general3A_25 {dimension_numbers = #tpu.dot_dimension_numbers<[1], [1], [0], [0], [0, 0, 1, 0], [], []>, transpose_lhs_hint = false} : vector<128x3xbf16>, vector<1024x3xbf16>, vector<128x1024xf32> -> vector<128x1024xf32>
    %mul3A_27 = arith.constant 2.000000e+00 : f32
    %mul3A_28 = vector.broadcast %mul3A_27 : f32 to vector<128x1024xf32>
    %mul3A_29 = arith.mulf %mul3A_28, %dot_general3A_26 : vector<128x1024xf32>
    %sub3A = vector.broadcast %broadcast_in_dim3A : vector<128x1xf32> to vector<128x1024xf32>
    %sub3A_30 = arith.subf %mul3A_29, %sub3A : vector<128x1024xf32>
    %sub3A_31 = vector.broadcast %dot_general3A_23 : vector<1x1024xf32> to vector<128x1024xf32>
    %sub3A_32 = arith.subf %sub3A_30, %sub3A_31 : vector<128x1024xf32>
    %swap3A = arith.constant 0 : index
    %swap3A_33 = arith.constant 0 : index
    %swap3A_34 = vector.load %arg9[%swap3A, %swap3A_33] : memref<128x1024xf32, #tpu.memory_space<vmem>>, vector<128x1024xf32>
    tpu.vector_store %arg9[%swap3A, %swap3A_33], %sub3A_32 {strides = array<i32>} : memref<128x1024xf32, #tpu.memory_space<vmem>>, vector<128x1024xf32>,
    %broadcast_in_dim3A_35 = arith.constant 0.000000e+00 : f32
    %broadcast_in_dim3A_36 = vector.broadcast %broadcast_in_dim3A_35 : f32 to vector<128x1024xf32>
    %swap3A_37 = arith.constant 0 : index
    %swap3A_38 = arith.constant 0 : index
    %swap3A_39 = vector.load %arg10[%swap3A_37, %swap3A_38] : memref<128x1024xf32, #tpu.memory_space<vmem>>, vector<128x1024xf32>
    tpu.vector_store %arg10[%swap3A_37, %swap3A_38], %broadcast_in_dim3A_36 {strides = array<i32>} : memref<128x1024xf32, #tpu.memory_space<vmem>>, vector<128x1024xf32>,
    %iota3A = tpu.iota {dimensions = array<i32: 1>} : vector<128x1024xi32>
    %mul3A_40 = arith.constant 1024 : i32
    %mul3A_41 = arith.muli %arg0, %mul3A_40 : i32
    %scan3A = arith.constant 0 : i32
    %scan3A_42 = arith.constant 20 : i32
    %scan3A_43 = arith.addi %scan3A, %scan3A_42 : i32
    %scan3A_44 = arith.constant 1 : i32
    scf.for %scan3A_94 = %scan3A to %scan3A_43 step %scan3A_44  : i32 {
      %get3A_95 = arith.constant 0 : index
      %get3A_96 = arith.constant 0 : index
      %get3A_97 = vector.load %arg9[%get3A_95, %get3A_96] : memref<128x1024xf32, #tpu.memory_space<vmem>>, vector<128x1024xf32>
      %reduce_max3A = arith.constant dense<0xFF800000> : vector<128xf32>
      %reduce_max3A_98 = vector.multi_reduction <maximumf>, %get3A_97, %reduce_max3A [1] : vector<128x1024xf32> to vector<128xf32>
      %broadcast_in_dim3A_99 = vector.shape_cast %reduce_max3A_98 : vector<128xf32> to vector<128x1xf32>
      %ge3A = vector.broadcast %broadcast_in_dim3A_99 : vector<128x1xf32> to vector<128x1024xf32>
      %ge3A_100 = arith.cmpf oge, %get3A_97, %ge3A : vector<128x1024xf32>
      %jit3A = arith.constant 1024 : i32
      %broadcast_in_dim3A_101 = vector.broadcast %jit3A : i32 to vector<128x1024xi32>
      %select_n3A = arith.select %ge3A_100, %iota3A, %broadcast_in_dim3A_101 : vector<128x1024xi1>, vector<128x1024xi32>
      %reduce_min3A = arith.constant dense<2147483647> : vector<128xi32>
      %reduce_min3A_102 = vector.multi_reduction <minsi>, %select_n3A, %reduce_min3A [1] : vector<128x1024xi32> to vector<128xi32>
      %broadcast_in_dim3A_103 = vector.shape_cast %reduce_min3A_102 : vector<128xi32> to vector<128x1xi32>
      %eq3A_104 = vector.broadcast %broadcast_in_dim3A_103 : vector<128x1xi32> to vector<128x1024xi32>
      %eq3A_105 = arith.cmpi eq, %iota3A, %eq3A_104 : vector<128x1024xi32>
      %add3A_106 = vector.broadcast %mul3A_41 : i32 to vector<128x1xi32>
      %add3A_107 = arith.addi %broadcast_in_dim3A_103, %add3A_106 : vector<128x1xi32>
      %mul3A_108 = arith.constant 1024 : i32
      %mul3A_109 = arith.muli %scan3A_94, %mul3A_108 : i32
      %mul3A_110 = arith.constant 128 : i32
      %mul3A_111 = arith.muli %arg1, %mul3A_110 : i32
      %add3A_112 = arith.addi %mul3A_109, %mul3A_111 : i32
      %swap3A_113 = arith.constant 0 : index
      %swap3A_114 = arith.index_cast %add3A_112 : i32 to index
      %swap3A_115 = arith.constant 0 : index
      %swap3A_116 = vector.load %arg4[%swap3A_113, %swap3A_114, %swap3A_115] : memref<1x20480x1xi32, #tpu.memory_space<vmem>>, vector<1x128x1xi32>
      %swap3A_117 = vector.shape_cast %swap3A_116 : vector<1x128x1xi32> to vector<128x1xi32>
      %swap3A_118 = vector.shape_cast %add3A_107 : vector<128x1xi32> to vector<1x128x1xi32>
      tpu.vector_store %arg4[%swap3A_113, %swap3A_114, %swap3A_115], %swap3A_118 {strides = array<i32>} : memref<1x20480x1xi32, #tpu.memory_space<vmem>>, vector<1x128x1xi32>,
      %get3A_119 = arith.constant 0 : index
      %get3A_120 = arith.constant 0 : index
      %get3A_121 = vector.load %arg10[%get3A_119, %get3A_120] : memref<128x1024xf32, #tpu.memory_space<vmem>>, vector<128x1024xf32>
      %convert_element_type3A_122 = arith.extui %eq3A_105 : vector<128x1024xi1> to vector<128x1024xi32>
      %convert_element_type3A_123 = arith.sitofp %convert_element_type3A_122 : vector<128x1024xi32> to vector<128x1024xf32>
      %add3A_124 = arith.addf %get3A_121, %convert_element_type3A_123 : vector<128x1024xf32>
      %swap3A_125 = arith.constant 0 : index
      %swap3A_126 = arith.constant 0 : index
      %swap3A_127 = vector.load %arg10[%swap3A_125, %swap3A_126] : memref<128x1024xf32, #tpu.memory_space<vmem>>, vector<128x1024xf32>
      tpu.vector_store %arg10[%swap3A_125, %swap3A_126], %add3A_124 {strides = array<i32>} : memref<128x1024xf32, #tpu.memory_space<vmem>>, vector<128x1024xf32>,
      %jit3A_128 = arith.constant -3.000000e+38 : f32
      %broadcast_in_dim3A_129 = vector.broadcast %jit3A_128 : f32 to vector<128x1024xf32>
      %select_n3A_130 = arith.select %eq3A_105, %broadcast_in_dim3A_129, %get3A_97 : vector<128x1024xi1>, vector<128x1024xf32>
      %swap3A_131 = arith.constant 0 : index
      %swap3A_132 = arith.constant 0 : index
      %swap3A_133 = vector.load %arg9[%swap3A_131, %swap3A_132] : memref<128x1024xf32, #tpu.memory_space<vmem>>, vector<128x1024xf32>
      tpu.vector_store %arg9[%swap3A_131, %swap3A_132], %select_n3A_130 {strides = array<i32>} : memref<128x1024xf32, #tpu.memory_space<vmem>>, vector<128x1024xf32>,
    }
    %scan3A_45 = arith.constant 20 : i32
    %eq3A = arith.constant 0 : i32
    %eq3A_46 = arith.cmpi eq, %arg1, %eq3A : i32
    %convert_element_type3A_47 = arith.extui %eq3A_46 : i1 to i32
    %cond3A = arith.constant 0 : i32
    %cond3A_48 = arith.cmpi ne, %convert_element_type3A_47, %cond3A : i32
    scf.if %cond3A_48 {
      %slice3A_94 = vector.extract_strided_slice %get3A_6 {offsets = [0, 3], sizes = [64, 3], strides = [1, 1]} : vector<64x6xf32> to vector<64x3xf32>
      %dot_general3A_95 = arith.constant dense<0.000000e+00> : vector<1024x64xf32>
      %dot_general3A_96 = tpu.matmul %get3A_3, %slice3A_94, %dot_general3A_95 {dimension_numbers = #tpu.dot_dimension_numbers<[1], [1], [0], [0], [0, 0, 1, 0], [], []>, transpose_lhs_hint = false} : vector<1024x3xf32>, vector<64x3xf32>, vector<1024x64xf32> -> vector<1024x64xf32>
      %swap3A_97 = arith.constant 0 : index
      %swap3A_98 = arith.constant 0 : index
      %swap3A_99 = arith.constant 0 : index
      %swap3A_100 = vector.load %arg5[%swap3A_97, %swap3A_98, %swap3A_99] : memref<1x1024x128xf32, #tpu.memory_space<vmem>>, vector<1x1024x64xf32>
      %swap3A_101 = vector.shape_cast %swap3A_100 : vector<1x1024x64xf32> to vector<1024x64xf32>
      %swap3A_102 = vector.shape_cast %dot_general3A_7 : vector<1024x64xf32> to vector<1x1024x64xf32>
      tpu.vector_store %arg5[%swap3A_97, %swap3A_98, %swap3A_99], %swap3A_102 {strides = array<i32>} : memref<1x1024x128xf32, #tpu.memory_space<vmem>>, vector<1x1024x64xf32>,
      %broadcast_in_dim3A_103 = arith.constant 0.000000e+00 : f32
      %broadcast_in_dim3A_104 = vector.broadcast %broadcast_in_dim3A_103 : f32 to vector<1024x64xf32>
      %swap3A_105 = arith.constant 0 : index
      %swap3A_106 = arith.constant 0 : index
      %swap3A_107 = arith.constant 64 : index
      %swap3A_108 = vector.load %arg5[%swap3A_105, %swap3A_106, %swap3A_107] : memref<1x1024x128xf32, #tpu.memory_space<vmem>>, vector<1x1024x64xf32>
      %swap3A_109 = vector.shape_cast %swap3A_108 : vector<1x1024x64xf32> to vector<1024x64xf32>
      %swap3A_110 = vector.shape_cast %broadcast_in_dim3A_104 : vector<1024x64xf32> to vector<1x1024x64xf32>
      tpu.vector_store %arg5[%swap3A_105, %swap3A_106, %swap3A_107], %swap3A_110 {strides = array<i32>} : memref<1x1024x128xf32, #tpu.memory_space<vmem>>, vector<1x1024x64xf32>,
      %swap3A_111 = arith.constant 0 : index
      %swap3A_112 = arith.constant 0 : index
      %swap3A_113 = arith.constant 0 : index
      %swap3A_114 = vector.load %arg6[%swap3A_111, %swap3A_112, %swap3A_113] : memref<1x1024x64xf32, #tpu.memory_space<vmem>>, vector<1x1024x64xf32>
      %swap3A_115 = vector.shape_cast %swap3A_114 : vector<1x1024x64xf32> to vector<1024x64xf32>
      %swap3A_116 = vector.shape_cast %dot_general3A_96 : vector<1024x64xf32> to vector<1x1024x64xf32>
      tpu.vector_store %arg6[%swap3A_111, %swap3A_112, %swap3A_113], %swap3A_116 {strides = array<i32>} : memref<1x1024x64xf32, #tpu.memory_space<vmem>>, vector<1x1024x64xf32>,
      %reduce_sum3A_117 = arith.constant dense<0.000000e+00> : vector<64xf32>
      %reduce_sum3A_118 = vector.multi_reduction <add>, %dot_general3A_96, %reduce_sum3A_117 [0] : vector<1024x64xf32> to vector<64xf32>
      %broadcast_in_dim3A_119 = vector.shape_cast %reduce_sum3A_118 : vector<64xf32> to vector<1x64xf32>
      %mul3A_120 = arith.constant 2.000000e+01 : f32
      %mul3A_121 = vector.broadcast %mul3A_120 : f32 to vector<1x64xf32>
      %mul3A_122 = arith.mulf %mul3A_121, %broadcast_in_dim3A_119 : vector<1x64xf32>
      %swap3A_123 = arith.constant 0 : index
      %swap3A_124 = arith.constant 0 : index
      %swap3A_125 = arith.constant 0 : index
      %swap3A_126 = vector.load %arg7[%swap3A_123, %swap3A_124, %swap3A_125] : memref<1x1x64xf32, #tpu.memory_space<vmem>>, vector<1x1x64xf32>
      %swap3A_127 = vector.shape_cast %swap3A_126 : vector<1x1x64xf32> to vector<1x64xf32>
      %swap3A_128 = vector.shape_cast %mul3A_122 : vector<1x64xf32> to vector<1x1x64xf32>
      tpu.vector_store %arg7[%swap3A_123, %swap3A_124, %swap3A_125], %swap3A_128 {strides = array<i32>} : memref<1x1x64xf32, #tpu.memory_space<vmem>>, vector<1x1x64xf32>,
      %mul3A_129 = arith.mulf %dot_general3A_96, %dot_general3A_96 : vector<1024x64xf32>
      %reduce_sum3A_130 = arith.constant dense<0.000000e+00> : vector<64xf32>
      %reduce_sum3A_131 = vector.multi_reduction <add>, %mul3A_129, %reduce_sum3A_130 [0] : vector<1024x64xf32> to vector<64xf32>
      %broadcast_in_dim3A_132 = vector.shape_cast %reduce_sum3A_131 : vector<64xf32> to vector<1x64xf32>
      %mul3A_133 = arith.constant 2.000000e+01 : f32
      %mul3A_134 = vector.broadcast %mul3A_133 : f32 to vector<1x64xf32>
      %mul3A_135 = arith.mulf %mul3A_134, %broadcast_in_dim3A_132 : vector<1x64xf32>
      %swap3A_136 = arith.constant 0 : index
      %swap3A_137 = arith.constant 0 : index
      %swap3A_138 = arith.constant 0 : index
      %swap3A_139 = vector.load %arg8[%swap3A_136, %swap3A_137, %swap3A_138] : memref<1x1x64xf32, #tpu.memory_space<vmem>>, vector<1x1x64xf32>
      %swap3A_140 = vector.shape_cast %swap3A_139 : vector<1x1x64xf32> to vector<1x64xf32>
      %swap3A_141 = vector.shape_cast %mul3A_135 : vector<1x64xf32> to vector<1x1x64xf32>
      tpu.vector_store %arg8[%swap3A_136, %swap3A_137, %swap3A_138], %swap3A_141 {strides = array<i32>} : memref<1x1x64xf32, #tpu.memory_space<vmem>>, vector<1x1x64xf32>,
    } else {
    }
    %get3A_49 = arith.constant 0 : index
    %get3A_50 = arith.constant 0 : index
    %get3A_51 = vector.load %arg10[%get3A_49, %get3A_50] : memref<128x1024xf32, #tpu.memory_space<vmem>>, vector<128x1024xf32>
    %dot_general3A_52 = arith.constant dense<0.000000e+00> : vector<128x64xf32>
    %dot_general3A_53 = tpu.matmul %get3A_51, %dot_general3A_7, %dot_general3A_52 {dimension_numbers = #tpu.dot_dimension_numbers<[1], [0], [0], [1], [0, 0, 1, 1], [], []>, transpose_lhs_hint = false} : vector<128x1024xf32>, vector<1024x64xf32>, vector<128x64xf32> -> vector<128x64xf32>
    %reduce_sum3A_54 = arith.constant dense<0.000000e+00> : vector<1024xf32>
    %reduce_sum3A_55 = vector.multi_reduction <add>, %get3A_51, %reduce_sum3A_54 [0] : vector<128x1024xf32> to vector<1024xf32>
    %broadcast_in_dim3A_56 = vector.shape_cast %reduce_sum3A_55 : vector<1024xf32> to vector<1x1024xf32>
    %get3A_57 = arith.constant 0 : index
    %get3A_58 = arith.constant 0 : index
    %get3A_59 = arith.constant 0 : index
    %get3A_60 = vector.load %arg7[%get3A_57, %get3A_58, %get3A_59] : memref<1x1x64xf32, #tpu.memory_space<vmem>>, vector<1x1x64xf32>
    %get3A_61 = vector.shape_cast %get3A_60 : vector<1x1x64xf32> to vector<1x64xf32>
    %reduce_sum3A_62 = arith.constant dense<0.000000e+00> : vector<64xf32>
    %reduce_sum3A_63 = vector.multi_reduction <add>, %dot_general3A_53, %reduce_sum3A_62 [0] : vector<128x64xf32> to vector<64xf32>
    %broadcast_in_dim3A_64 = vector.shape_cast %reduce_sum3A_63 : vector<64xf32> to vector<1x64xf32>
    %add3A = arith.addf %get3A_61, %broadcast_in_dim3A_64 : vector<1x64xf32>
    %swap3A_65 = arith.constant 0 : index
    %swap3A_66 = arith.constant 0 : index
    %swap3A_67 = arith.constant 0 : index
    %swap3A_68 = vector.load %arg7[%swap3A_65, %swap3A_66, %swap3A_67] : memref<1x1x64xf32, #tpu.memory_space<vmem>>, vector<1x1x64xf32>
    %swap3A_69 = vector.shape_cast %swap3A_68 : vector<1x1x64xf32> to vector<1x64xf32>
    %swap3A_70 = vector.shape_cast %add3A : vector<1x64xf32> to vector<1x1x64xf32>
    tpu.vector_store %arg7[%swap3A_65, %swap3A_66, %swap3A_67], %swap3A_70 {strides = array<i32>} : memref<1x1x64xf32, #tpu.memory_space<vmem>>, vector<1x1x64xf32>,
    %get3A_71 = arith.constant 0 : index
    %get3A_72 = arith.constant 0 : index
    %get3A_73 = arith.constant 0 : index
    %get3A_74 = vector.load %arg8[%get3A_71, %get3A_72, %get3A_73] : memref<1x1x64xf32, #tpu.memory_space<vmem>>, vector<1x1x64xf32>
    %get3A_75 = vector.shape_cast %get3A_74 : vector<1x1x64xf32> to vector<1x64xf32>
    %mul3A_76 = arith.mulf %dot_general3A_7, %dot_general3A_7 : vector<1024x64xf32>
    %dot_general3A_77 = arith.constant dense<0.000000e+00> : vector<1x64xf32>
    %dot_general3A_78 = tpu.matmul %broadcast_in_dim3A_56, %mul3A_76, %dot_general3A_77 {dimension_numbers = #tpu.dot_dimension_numbers<[1], [0], [0], [1], [0, 0, 1, 1], [], []>, transpose_lhs_hint = false} : vector<1x1024xf32>, vector<1024x64xf32>, vector<1x64xf32> -> vector<1x64xf32>
    %mul3A_79 = arith.mulf %dot_general3A_53, %dot_general3A_16 : vector<128x64xf32>
    %reduce_sum3A_80 = arith.constant dense<0.000000e+00> : vector<64xf32>
    %reduce_sum3A_81 = vector.multi_reduction <add>, %mul3A_79, %reduce_sum3A_80 [0] : vector<128x64xf32> to vector<64xf32>
    %broadcast_in_dim3A_82 = vector.shape_cast %reduce_sum3A_81 : vector<64xf32> to vector<1x64xf32>
    %mul3A_83 = arith.constant 2.000000e+00 : f32
    %mul3A_84 = vector.broadcast %mul3A_83 : f32 to vector<1x64xf32>
    %mul3A_85 = arith.mulf %mul3A_84, %broadcast_in_dim3A_82 : vector<1x64xf32>
    %add3A_86 = arith.addf %dot_general3A_78, %mul3A_85 : vector<1x64xf32>
    %add3A_87 = arith.addf %get3A_75, %add3A_86 : vector<1x64xf32>
    %swap3A_88 = arith.constant 0 : index
    %swap3A_89 = arith.constant 0 : index
    %swap3A_90 = arith.constant 0 : index
    %swap3A_91 = vector.load %arg8[%swap3A_88, %swap3A_89, %swap3A_90] : memref<1x1x64xf32, #tpu.memory_space<vmem>>, vector<1x1x64xf32>
    %swap3A_92 = vector.shape_cast %swap3A_91 : vector<1x1x64xf32> to vector<1x64xf32>
    %swap3A_93 = vector.shape_cast %add3A_87 : vector<1x64xf32> to vector<1x1x64xf32>
    tpu.vector_store %arg8[%swap3A_88, %swap3A_89, %swap3A_90], %swap3A_93 {strides = array<i32>} : memref<1x1x64xf32, #tpu.memory_space<vmem>>, vector<1x1x64xf32>,
    return
  }
  func.func @transform_0(%arg0: i32, %arg1: i32) -> (i32, i32, i32) {
    %c0_i32 = arith.constant 0 : i32
    %c0_i32_0 = arith.constant 0 : i32
    %c0_i32_1 = arith.constant 0 : i32
    return %arg0, %c0_i32, %c0_i32_0 : i32, i32, i32
  }
  func.func @transform_1(%arg0: i32, %arg1: i32) -> (i32, i32) {
    %c0_i32 = arith.constant 0 : i32
    %c0_i32_0 = arith.constant 0 : i32
    %c0_i32_1 = arith.constant 0 : i32
    return %c0_i32, %c0_i32_0 : i32, i32
  }
  func.func @transform_2(%arg0: i32, %arg1: i32) -> (i32, i32, i32) {
    %c0_i32 = arith.constant 0 : i32
    %c0_i32_0 = arith.constant 0 : i32
    %c0_i32_1 = arith.constant 0 : i32
    return %arg0, %c0_i32, %c0_i32_0 : i32, i32, i32
  }
  func.func @transform_3(%arg0: i32, %arg1: i32) -> (i32, i32, i32) {
    %c0_i32 = arith.constant 0 : i32
    %c0_i32_0 = arith.constant 0 : i32
    %c0_i32_1 = arith.constant 0 : i32
    return %arg0, %c0_i32, %c0_i32_0 : i32, i32, i32
  }
  func.func @transform_4(%arg0: i32, %arg1: i32) -> (i32, i32, i32) {
    %c0_i32 = arith.constant 0 : i32
    %c0_i32_0 = arith.constant 0 : i32
    %c0_i32_1 = arith.constant 0 : i32
    return %arg0, %c0_i32, %c0_i32_0 : i32, i32, i32
  }
  func.func @transform_5(%arg0: i32, %arg1: i32) -> (i32, i32, i32) {
    %c0_i32 = arith.constant 0 : i32
    %c0_i32_0 = arith.constant 0 : i32
    %c0_i32_1 = arith.constant 0 : i32
    return %arg0, %c0_i32, %c0_i32_0 : i32, i32, i32
  }
  func.func @transform_6(%arg0: i32, %arg1: i32) -> (i32, i32, i32) {
    %c0_i32 = arith.constant 0 : i32
    %c0_i32_0 = arith.constant 0 : i32
    %c0_i32_1 = arith.constant 0 : i32
    return %arg0, %c0_i32, %c0_i32_0 : i32, i32, i32
  }
}

module attributes {stable_mosaic.version = 14 : i64} {
  func.func @body(%arg0: i32, %arg1: i32, %arg2: memref<1x1024x128xf32, #tpu.memory_space<vmem>>, %arg3: memref<1x1024x64xf32, #tpu.memory_space<vmem>>, %arg4: memref<8x1x64xf32, #tpu.memory_space<vmem>>, %arg5: memref<8x1x64xf32, #tpu.memory_space<vmem>>, %arg6: memref<1x64xf32, #tpu.memory_space<vmem>>, %arg7: memref<1x64xf32, #tpu.memory_space<vmem>>, %arg8: memref<64x64xf32, #tpu.memory_space<vmem>>, %arg9: memref<1x1024x64xf32, #tpu.memory_space<vmem>>, %arg10: memref<1x1024x64xf32, #tpu.memory_space<vmem>>, %arg11: memref<1x1x64xf32, #tpu.memory_space<vmem>>, %arg12: memref<1x1x64xf32, #tpu.memory_space<vmem>>, %arg13: memref<1x64xf32, #tpu.memory_space<vmem>>, %arg14: memref<1x64xf32, #tpu.memory_space<vmem>>) attributes {dimension_semantics = [#tpu.dimension_semantics<arbitrary>, #tpu.dimension_semantics<arbitrary>], iteration_bounds = array<i64: 8, 20>, scalar_prefetch = 0 : i64, scratch_operands = 2 : i64, tpu.core_type = #tpu.core_type<tc>, window_params = [{transform_indices = @transform_0, window_bounds = array<i64: 1, 1024, 128>}, {transform_indices = @transform_1, window_bounds = array<i64: 1, 1024, 64>}, {pipeline_mode = #tpu.pipeline_mode<synchronous>, transform_indices = @transform_2, window_bounds = array<i64: 8, 1, 64>}, {pipeline_mode = #tpu.pipeline_mode<synchronous>, transform_indices = @transform_3, window_bounds = array<i64: 8, 1, 64>}, {pipeline_mode = #tpu.pipeline_mode<synchronous>, transform_indices = @transform_4, window_bounds = array<i64: 1, 64>}, {pipeline_mode = #tpu.pipeline_mode<synchronous>, transform_indices = @transform_5, window_bounds = array<i64: 1, 64>}, {pipeline_mode = #tpu.pipeline_mode<synchronous>, transform_indices = @transform_6, window_bounds = array<i64: 64, 64>}, {transform_indices = @transform_7, window_bounds = array<i64: 1, 1024, 64>}, {transform_indices = @transform_8, window_bounds = array<i64: 1, 1024, 64>}, {transform_indices = @transform_9, window_bounds = array<i64: 1, 1, 64>}, {transform_indices = @transform_10, window_bounds = array<i64: 1, 1, 64>}]} {
    %eq3A = arith.constant 0 : i32
    %eq3A_0 = arith.cmpi eq, %arg0, %eq3A : i32
    %eq3A_1 = arith.constant 0 : i32
    %eq3A_2 = arith.cmpi eq, %arg1, %eq3A_1 : i32
    %and3A = arith.andi %eq3A_0, %eq3A_2 : i1
    %convert_element_type3A = arith.extui %and3A : i1 to i32
    %cond3A = arith.constant 0 : i32
    %cond3A_3 = arith.cmpi ne, %convert_element_type3A, %cond3A : i32
    scf.if %cond3A_3 {
      %get3A_71 = arith.constant 0 : index
      %get3A_72 = arith.constant 0 : index
      %get3A_73 = arith.constant 0 : index
      %get3A_74 = vector.load %arg4[%get3A_71, %get3A_72, %get3A_73] : memref<8x1x64xf32, #tpu.memory_space<vmem>>, vector<8x1x64xf32>
      %reduce_sum3A_75 = arith.constant dense<0.000000e+00> : vector<1x64xf32>
      %reduce_sum3A_76 = vector.multi_reduction <add>, %get3A_74, %reduce_sum3A_75 [0] : vector<8x1x64xf32> to vector<1x64xf32>
      %get3A_77 = arith.constant 0 : index
      %get3A_78 = arith.constant 0 : index
      %get3A_79 = arith.constant 0 : index
      %get3A_80 = vector.load %arg5[%get3A_77, %get3A_78, %get3A_79] : memref<8x1x64xf32, #tpu.memory_space<vmem>>, vector<8x1x64xf32>
      %reduce_sum3A_81 = arith.constant dense<0.000000e+00> : vector<1x64xf32>
      %reduce_sum3A_82 = vector.multi_reduction <add>, %get3A_80, %reduce_sum3A_81 [0] : vector<8x1x64xf32> to vector<1x64xf32>
      %div3A = arith.constant 1.638400e+05 : f32
      %div3A_83 = vector.broadcast %div3A : f32 to vector<1x64xf32>
      %div3A_84 = arith.divf %reduce_sum3A_76, %div3A_83 : vector<1x64xf32>
      %div3A_85 = arith.constant 1.638400e+05 : f32
      %div3A_86 = vector.broadcast %div3A_85 : f32 to vector<1x64xf32>
      %div3A_87 = arith.divf %reduce_sum3A_82, %div3A_86 : vector<1x64xf32>
      %mul3A_88 = arith.mulf %div3A_84, %div3A_84 : vector<1x64xf32>
      %sub3A = arith.subf %div3A_87, %mul3A_88 : vector<1x64xf32>
      %get3A_89 = arith.constant 0 : index
      %get3A_90 = arith.constant 0 : index
      %get3A_91 = vector.load %arg6[%get3A_89, %get3A_90] : memref<1x64xf32, #tpu.memory_space<vmem>>, vector<1x64xf32>
      %add3A_92 = arith.constant 9.99999974E-6 : f32
      %add3A_93 = vector.broadcast %add3A_92 : f32 to vector<1x64xf32>
      %add3A_94 = arith.addf %sub3A, %add3A_93 : vector<1x64xf32>
      %rsqrt3A = math.rsqrt %add3A_94 : vector<1x64xf32>
      %mul3A_95 = arith.mulf %get3A_91, %rsqrt3A : vector<1x64xf32>
      %swap3A_96 = arith.constant 0 : index
      %swap3A_97 = arith.constant 0 : index
      %swap3A_98 = vector.load %arg13[%swap3A_96, %swap3A_97] : memref<1x64xf32, #tpu.memory_space<vmem>>, vector<1x64xf32>
      tpu.vector_store %arg13[%swap3A_96, %swap3A_97], %mul3A_95 {strides = array<i32>} : memref<1x64xf32, #tpu.memory_space<vmem>>, vector<1x64xf32>,
      %get3A_99 = arith.constant 0 : index
      %get3A_100 = arith.constant 0 : index
      %get3A_101 = vector.load %arg7[%get3A_99, %get3A_100] : memref<1x64xf32, #tpu.memory_space<vmem>>, vector<1x64xf32>
      %mul3A_102 = arith.mulf %div3A_84, %mul3A_95 : vector<1x64xf32>
      %sub3A_103 = arith.subf %get3A_101, %mul3A_102 : vector<1x64xf32>
      %swap3A_104 = arith.constant 0 : index
      %swap3A_105 = arith.constant 0 : index
      %swap3A_106 = vector.load %arg14[%swap3A_104, %swap3A_105] : memref<1x64xf32, #tpu.memory_space<vmem>>, vector<1x64xf32>
      tpu.vector_store %arg14[%swap3A_104, %swap3A_105], %sub3A_103 {strides = array<i32>} : memref<1x64xf32, #tpu.memory_space<vmem>>, vector<1x64xf32>,
    } else {
    }
    %get3A = arith.constant 0 : index
    %get3A_4 = arith.constant 0 : index
    %get3A_5 = arith.constant 0 : index
    %get3A_6 = vector.load %arg2[%get3A, %get3A_4, %get3A_5] : memref<1x1024x128xf32, #tpu.memory_space<vmem>>, vector<1x1024x128xf32>
    %get3A_7 = vector.shape_cast %get3A_6 : vector<1x1024x128xf32> to vector<1024x128xf32>
    %slice3A = vector.extract_strided_slice %get3A_7 {offsets = [0, 0], sizes = [1024, 64], strides = [1, 1]} : vector<1024x128xf32> to vector<1024x64xf32>
    %get3A_8 = arith.constant 0 : index
    %get3A_9 = arith.constant 0 : index
    %get3A_10 = arith.constant 0 : index
    %get3A_11 = vector.load %arg3[%get3A_8, %get3A_9, %get3A_10] : memref<1x1024x64xf32, #tpu.memory_space<vmem>>, vector<1x1024x64xf32>
    %get3A_12 = vector.shape_cast %get3A_11 : vector<1x1024x64xf32> to vector<1024x64xf32>
    %add3A = arith.addf %slice3A, %get3A_12 : vector<1024x64xf32>
    %get3A_13 = arith.constant 0 : index
    %get3A_14 = arith.constant 0 : index
    %get3A_15 = vector.load %arg13[%get3A_13, %get3A_14] : memref<1x64xf32, #tpu.memory_space<vmem>>, vector<1x64xf32>
    %mul3A = vector.broadcast %get3A_15 : vector<1x64xf32> to vector<1024x64xf32>
    %mul3A_16 = arith.mulf %add3A, %mul3A : vector<1024x64xf32>
    %get3A_17 = arith.constant 0 : index
    %get3A_18 = arith.constant 0 : index
    %get3A_19 = vector.load %arg14[%get3A_17, %get3A_18] : memref<1x64xf32, #tpu.memory_space<vmem>>, vector<1x64xf32>
    %add3A_20 = vector.broadcast %get3A_19 : vector<1x64xf32> to vector<1024x64xf32>
    %add3A_21 = arith.addf %mul3A_16, %add3A_20 : vector<1024x64xf32>
    %max3A = arith.constant 0.000000e+00 : f32
    %max3A_22 = vector.broadcast %max3A : f32 to vector<1024x64xf32>
    %max3A_23 = arith.maximumf %add3A_21, %max3A_22 : vector<1024x64xf32>
    %get3A_24 = arith.constant 0 : index
    %get3A_25 = arith.constant 0 : index
    %get3A_26 = vector.load %arg8[%get3A_24, %get3A_25] : memref<64x64xf32, #tpu.memory_space<vmem>>, vector<64x64xf32>
    %dot_general3A = arith.constant dense<0.000000e+00> : vector<1024x64xf32>
    %dot_general3A_27 = tpu.matmul %max3A_23, %get3A_26, %dot_general3A {dimension_numbers = #tpu.dot_dimension_numbers<[1], [1], [0], [0], [0, 0, 1, 0], [], []>, transpose_lhs_hint = false} : vector<1024x64xf32>, vector<64x64xf32>, vector<1024x64xf32> -> vector<1024x64xf32>
    %eq3A_28 = arith.constant 0 : i32
    %eq3A_29 = arith.cmpi eq, %arg1, %eq3A_28 : i32
    %convert_element_type3A_30 = arith.extui %eq3A_29 : i1 to i32
    %cond3A_31 = arith.constant 0 : i32
    %cond3A_32 = arith.cmpi ne, %convert_element_type3A_30, %cond3A_31 : i32
    scf.if %cond3A_32 {
      %swap3A_71 = arith.constant 0 : index
      %swap3A_72 = arith.constant 0 : index
      %swap3A_73 = arith.constant 0 : index
      %swap3A_74 = vector.load %arg10[%swap3A_71, %swap3A_72, %swap3A_73] : memref<1x1024x64xf32, #tpu.memory_space<vmem>>, vector<1x1024x64xf32>
      %swap3A_75 = vector.shape_cast %swap3A_74 : vector<1x1024x64xf32> to vector<1024x64xf32>
      %swap3A_76 = vector.shape_cast %max3A_23 : vector<1024x64xf32> to vector<1x1024x64xf32>
      tpu.vector_store %arg10[%swap3A_71, %swap3A_72, %swap3A_73], %swap3A_76 {strides = array<i32>} : memref<1x1024x64xf32, #tpu.memory_space<vmem>>, vector<1x1024x64xf32>,
      %broadcast_in_dim3A_77 = arith.constant 0.000000e+00 : f32
      %broadcast_in_dim3A_78 = vector.broadcast %broadcast_in_dim3A_77 : f32 to vector<1x64xf32>
      %swap3A_79 = arith.constant 0 : index
      %swap3A_80 = arith.constant 0 : index
      %swap3A_81 = arith.constant 0 : index
      %swap3A_82 = vector.load %arg11[%swap3A_79, %swap3A_80, %swap3A_81] : memref<1x1x64xf32, #tpu.memory_space<vmem>>, vector<1x1x64xf32>
      %swap3A_83 = vector.shape_cast %swap3A_82 : vector<1x1x64xf32> to vector<1x64xf32>
      %swap3A_84 = vector.shape_cast %broadcast_in_dim3A_78 : vector<1x64xf32> to vector<1x1x64xf32>
      tpu.vector_store %arg11[%swap3A_79, %swap3A_80, %swap3A_81], %swap3A_84 {strides = array<i32>} : memref<1x1x64xf32, #tpu.memory_space<vmem>>, vector<1x1x64xf32>,
      %broadcast_in_dim3A_85 = arith.constant 0.000000e+00 : f32
      %broadcast_in_dim3A_86 = vector.broadcast %broadcast_in_dim3A_85 : f32 to vector<1x64xf32>
      %swap3A_87 = arith.constant 0 : index
      %swap3A_88 = arith.constant 0 : index
      %swap3A_89 = arith.constant 0 : index
      %swap3A_90 = vector.load %arg12[%swap3A_87, %swap3A_88, %swap3A_89] : memref<1x1x64xf32, #tpu.memory_space<vmem>>, vector<1x1x64xf32>
      %swap3A_91 = vector.shape_cast %swap3A_90 : vector<1x1x64xf32> to vector<1x64xf32>
      %swap3A_92 = vector.shape_cast %broadcast_in_dim3A_86 : vector<1x64xf32> to vector<1x1x64xf32>
      tpu.vector_store %arg12[%swap3A_87, %swap3A_88, %swap3A_89], %swap3A_92 {strides = array<i32>} : memref<1x1x64xf32, #tpu.memory_space<vmem>>, vector<1x1x64xf32>,
    } else {
    }
    %gt3A = arith.constant 0 : i32
    %gt3A_33 = arith.cmpi sgt, %arg1, %gt3A : i32
    %convert_element_type3A_34 = arith.extui %gt3A_33 : i1 to i32
    %cond3A_35 = arith.constant 0 : i32
    %cond3A_36 = arith.cmpi ne, %convert_element_type3A_34, %cond3A_35 : i32
    scf.if %cond3A_36 {
      %get3A_71 = arith.constant 0 : index
      %get3A_72 = arith.constant 0 : index
      %get3A_73 = arith.constant 0 : index
      %get3A_74 = vector.load %arg10[%get3A_71, %get3A_72, %get3A_73] : memref<1x1024x64xf32, #tpu.memory_space<vmem>>, vector<1x1024x64xf32>
      %get3A_75 = vector.shape_cast %get3A_74 : vector<1x1024x64xf32> to vector<1024x64xf32>
      %max3A_76 = arith.maximumf %get3A_75, %max3A_23 : vector<1024x64xf32>
      %swap3A_77 = arith.constant 0 : index
      %swap3A_78 = arith.constant 0 : index
      %swap3A_79 = arith.constant 0 : index
      %swap3A_80 = vector.load %arg10[%swap3A_77, %swap3A_78, %swap3A_79] : memref<1x1024x64xf32, #tpu.memory_space<vmem>>, vector<1x1024x64xf32>
      %swap3A_81 = vector.shape_cast %swap3A_80 : vector<1x1024x64xf32> to vector<1024x64xf32>
      %swap3A_82 = vector.shape_cast %max3A_76 : vector<1024x64xf32> to vector<1x1024x64xf32>
      tpu.vector_store %arg10[%swap3A_77, %swap3A_78, %swap3A_79], %swap3A_82 {strides = array<i32>} : memref<1x1024x64xf32, #tpu.memory_space<vmem>>, vector<1x1024x64xf32>,
    } else {
    }
    %swap3A = arith.constant 0 : index
    %swap3A_37 = arith.constant 0 : index
    %swap3A_38 = arith.constant 0 : index
    %swap3A_39 = vector.load %arg9[%swap3A, %swap3A_37, %swap3A_38] : memref<1x1024x64xf32, #tpu.memory_space<vmem>>, vector<1x1024x64xf32>
    %swap3A_40 = vector.shape_cast %swap3A_39 : vector<1x1024x64xf32> to vector<1024x64xf32>
    %swap3A_41 = vector.shape_cast %dot_general3A_27 : vector<1024x64xf32> to vector<1x1024x64xf32>
    tpu.vector_store %arg9[%swap3A, %swap3A_37, %swap3A_38], %swap3A_41 {strides = array<i32>} : memref<1x1024x64xf32, #tpu.memory_space<vmem>>, vector<1x1024x64xf32>,
    %get3A_42 = arith.constant 0 : index
    %get3A_43 = arith.constant 0 : index
    %get3A_44 = arith.constant 0 : index
    %get3A_45 = vector.load %arg11[%get3A_42, %get3A_43, %get3A_44] : memref<1x1x64xf32, #tpu.memory_space<vmem>>, vector<1x1x64xf32>
    %get3A_46 = vector.shape_cast %get3A_45 : vector<1x1x64xf32> to vector<1x64xf32>
    %reduce_sum3A = arith.constant dense<0.000000e+00> : vector<64xf32>
    %reduce_sum3A_47 = vector.multi_reduction <add>, %dot_general3A_27, %reduce_sum3A [0] : vector<1024x64xf32> to vector<64xf32>
    %broadcast_in_dim3A = vector.shape_cast %reduce_sum3A_47 : vector<64xf32> to vector<1x64xf32>
    %add3A_48 = arith.addf %get3A_46, %broadcast_in_dim3A : vector<1x64xf32>
    %swap3A_49 = arith.constant 0 : index
    %swap3A_50 = arith.constant 0 : index
    %swap3A_51 = arith.constant 0 : index
    %swap3A_52 = vector.load %arg11[%swap3A_49, %swap3A_50, %swap3A_51] : memref<1x1x64xf32, #tpu.memory_space<vmem>>, vector<1x1x64xf32>
    %swap3A_53 = vector.shape_cast %swap3A_52 : vector<1x1x64xf32> to vector<1x64xf32>
    %swap3A_54 = vector.shape_cast %add3A_48 : vector<1x64xf32> to vector<1x1x64xf32>
    tpu.vector_store %arg11[%swap3A_49, %swap3A_50, %swap3A_51], %swap3A_54 {strides = array<i32>} : memref<1x1x64xf32, #tpu.memory_space<vmem>>, vector<1x1x64xf32>,
    %get3A_55 = arith.constant 0 : index
    %get3A_56 = arith.constant 0 : index
    %get3A_57 = arith.constant 0 : index
    %get3A_58 = vector.load %arg12[%get3A_55, %get3A_56, %get3A_57] : memref<1x1x64xf32, #tpu.memory_space<vmem>>, vector<1x1x64xf32>
    %get3A_59 = vector.shape_cast %get3A_58 : vector<1x1x64xf32> to vector<1x64xf32>
    %mul3A_60 = arith.mulf %dot_general3A_27, %dot_general3A_27 : vector<1024x64xf32>
    %reduce_sum3A_61 = arith.constant dense<0.000000e+00> : vector<64xf32>
    %reduce_sum3A_62 = vector.multi_reduction <add>, %mul3A_60, %reduce_sum3A_61 [0] : vector<1024x64xf32> to vector<64xf32>
    %broadcast_in_dim3A_63 = vector.shape_cast %reduce_sum3A_62 : vector<64xf32> to vector<1x64xf32>
    %add3A_64 = arith.addf %get3A_59, %broadcast_in_dim3A_63 : vector<1x64xf32>
    %swap3A_65 = arith.constant 0 : index
    %swap3A_66 = arith.constant 0 : index
    %swap3A_67 = arith.constant 0 : index
    %swap3A_68 = vector.load %arg12[%swap3A_65, %swap3A_66, %swap3A_67] : memref<1x1x64xf32, #tpu.memory_space<vmem>>, vector<1x1x64xf32>
    %swap3A_69 = vector.shape_cast %swap3A_68 : vector<1x1x64xf32> to vector<1x64xf32>
    %swap3A_70 = vector.shape_cast %add3A_64 : vector<1x64xf32> to vector<1x1x64xf32>
    tpu.vector_store %arg12[%swap3A_65, %swap3A_66, %swap3A_67], %swap3A_70 {strides = array<i32>} : memref<1x1x64xf32, #tpu.memory_space<vmem>>, vector<1x1x64xf32>,
    return
  }
  func.func @transform_0(%arg0: i32, %arg1: i32) -> (i32, i32, i32) {
    %c0_i32 = arith.constant 0 : i32
    %c0_i32_0 = arith.constant 0 : i32
    return %arg0, %arg1, %c0_i32 : i32, i32, i32
  }
  func.func @transform_1(%arg0: i32, %arg1: i32) -> (i32, i32, i32) {
    %c0_i32 = arith.constant 0 : i32
    %c0_i32_0 = arith.constant 0 : i32
    %c0_i32_1 = arith.constant 0 : i32
    return %arg0, %c0_i32, %c0_i32_0 : i32, i32, i32
  }
  func.func @transform_2(%arg0: i32, %arg1: i32) -> (i32, i32, i32) {
    %c0_i32 = arith.constant 0 : i32
    %c0_i32_0 = arith.constant 0 : i32
    %c0_i32_1 = arith.constant 0 : i32
    %c0_i32_2 = arith.constant 0 : i32
    return %c0_i32, %c0_i32_0, %c0_i32_1 : i32, i32, i32
  }
  func.func @transform_3(%arg0: i32, %arg1: i32) -> (i32, i32, i32) {
    %c0_i32 = arith.constant 0 : i32
    %c0_i32_0 = arith.constant 0 : i32
    %c0_i32_1 = arith.constant 0 : i32
    %c0_i32_2 = arith.constant 0 : i32
    return %c0_i32, %c0_i32_0, %c0_i32_1 : i32, i32, i32
  }
  func.func @transform_4(%arg0: i32, %arg1: i32) -> (i32, i32) {
    %c0_i32 = arith.constant 0 : i32
    %c0_i32_0 = arith.constant 0 : i32
    %c0_i32_1 = arith.constant 0 : i32
    return %c0_i32, %c0_i32_0 : i32, i32
  }
  func.func @transform_5(%arg0: i32, %arg1: i32) -> (i32, i32) {
    %c0_i32 = arith.constant 0 : i32
    %c0_i32_0 = arith.constant 0 : i32
    %c0_i32_1 = arith.constant 0 : i32
    return %c0_i32, %c0_i32_0 : i32, i32
  }
  func.func @transform_6(%arg0: i32, %arg1: i32) -> (i32, i32) {
    %c0_i32 = arith.constant 0 : i32
    %c0_i32_0 = arith.constant 0 : i32
    %c0_i32_1 = arith.constant 0 : i32
    return %c0_i32, %c0_i32_0 : i32, i32
  }
  func.func @transform_7(%arg0: i32, %arg1: i32) -> (i32, i32, i32) {
    %c0_i32 = arith.constant 0 : i32
    %c0_i32_0 = arith.constant 0 : i32
    return %arg0, %arg1, %c0_i32 : i32, i32, i32
  }
  func.func @transform_8(%arg0: i32, %arg1: i32) -> (i32, i32, i32) {
    %c0_i32 = arith.constant 0 : i32
    %c0_i32_0 = arith.constant 0 : i32
    %c0_i32_1 = arith.constant 0 : i32
    return %arg0, %c0_i32, %c0_i32_0 : i32, i32, i32
  }
  func.func @transform_9(%arg0: i32, %arg1: i32) -> (i32, i32, i32) {
    %c0_i32 = arith.constant 0 : i32
    %c0_i32_0 = arith.constant 0 : i32
    %c0_i32_1 = arith.constant 0 : i32
    return %arg0, %c0_i32, %c0_i32_0 : i32, i32, i32
  }
  func.func @transform_10(%arg0: i32, %arg1: i32) -> (i32, i32, i32) {
    %c0_i32 = arith.constant 0 : i32
    %c0_i32_0 = arith.constant 0 : i32
    %c0_i32_1 = arith.constant 0 : i32
    return %arg0, %c0_i32, %c0_i32_0 : i32, i32, i32
  }
}

module attributes {stable_mosaic.version = 14 : i64} {
  func.func @body(%arg0: i32, %arg1: i32, %arg2: memref<1x1024x64xf32, #tpu.memory_space<vmem>>, %arg3: memref<8x1x64xf32, #tpu.memory_space<vmem>>, %arg4: memref<8x1x64xf32, #tpu.memory_space<vmem>>, %arg5: memref<1x64xf32, #tpu.memory_space<vmem>>, %arg6: memref<1x64xf32, #tpu.memory_space<vmem>>, %arg7: memref<128x64xf32, #tpu.memory_space<vmem>>, %arg8: memref<1x1024x128xf32, #tpu.memory_space<vmem>>, %arg9: memref<1x1024x64xf32, #tpu.memory_space<vmem>>, %arg10: memref<1x1x128xf32, #tpu.memory_space<vmem>>, %arg11: memref<1x1x128xf32, #tpu.memory_space<vmem>>, %arg12: memref<1x64xf32, #tpu.memory_space<vmem>>, %arg13: memref<1x64xf32, #tpu.memory_space<vmem>>) attributes {dimension_semantics = [#tpu.dimension_semantics<arbitrary>, #tpu.dimension_semantics<arbitrary>], iteration_bounds = array<i64: 8, 20>, scalar_prefetch = 0 : i64, scratch_operands = 2 : i64, tpu.core_type = #tpu.core_type<tc>, window_params = [{transform_indices = @transform_0, window_bounds = array<i64: 1, 1024, 64>}, {pipeline_mode = #tpu.pipeline_mode<synchronous>, transform_indices = @transform_1, window_bounds = array<i64: 8, 1, 64>}, {pipeline_mode = #tpu.pipeline_mode<synchronous>, transform_indices = @transform_2, window_bounds = array<i64: 8, 1, 64>}, {pipeline_mode = #tpu.pipeline_mode<synchronous>, transform_indices = @transform_3, window_bounds = array<i64: 1, 64>}, {pipeline_mode = #tpu.pipeline_mode<synchronous>, transform_indices = @transform_4, window_bounds = array<i64: 1, 64>}, {pipeline_mode = #tpu.pipeline_mode<synchronous>, transform_indices = @transform_5, window_bounds = array<i64: 128, 64>}, {transform_indices = @transform_6, window_bounds = array<i64: 1, 1024, 128>}, {transform_indices = @transform_7, window_bounds = array<i64: 1, 1024, 64>}, {transform_indices = @transform_8, window_bounds = array<i64: 1, 1, 128>}, {transform_indices = @transform_9, window_bounds = array<i64: 1, 1, 128>}]} {
    %eq3A = arith.constant 0 : i32
    %eq3A_0 = arith.cmpi eq, %arg0, %eq3A : i32
    %eq3A_1 = arith.constant 0 : i32
    %eq3A_2 = arith.cmpi eq, %arg1, %eq3A_1 : i32
    %and3A = arith.andi %eq3A_0, %eq3A_2 : i1
    %convert_element_type3A = arith.extui %and3A : i1 to i32
    %cond3A = arith.constant 0 : i32
    %cond3A_3 = arith.cmpi ne, %convert_element_type3A, %cond3A : i32
    scf.if %cond3A_3 {
      %get3A_65 = arith.constant 0 : index
      %get3A_66 = arith.constant 0 : index
      %get3A_67 = arith.constant 0 : index
      %get3A_68 = vector.load %arg3[%get3A_65, %get3A_66, %get3A_67] : memref<8x1x64xf32, #tpu.memory_space<vmem>>, vector<8x1x64xf32>
      %reduce_sum3A_69 = arith.constant dense<0.000000e+00> : vector<1x64xf32>
      %reduce_sum3A_70 = vector.multi_reduction <add>, %get3A_68, %reduce_sum3A_69 [0] : vector<8x1x64xf32> to vector<1x64xf32>
      %get3A_71 = arith.constant 0 : index
      %get3A_72 = arith.constant 0 : index
      %get3A_73 = arith.constant 0 : index
      %get3A_74 = vector.load %arg4[%get3A_71, %get3A_72, %get3A_73] : memref<8x1x64xf32, #tpu.memory_space<vmem>>, vector<8x1x64xf32>
      %reduce_sum3A_75 = arith.constant dense<0.000000e+00> : vector<1x64xf32>
      %reduce_sum3A_76 = vector.multi_reduction <add>, %get3A_74, %reduce_sum3A_75 [0] : vector<8x1x64xf32> to vector<1x64xf32>
      %div3A = arith.constant 1.638400e+05 : f32
      %div3A_77 = vector.broadcast %div3A : f32 to vector<1x64xf32>
      %div3A_78 = arith.divf %reduce_sum3A_70, %div3A_77 : vector<1x64xf32>
      %div3A_79 = arith.constant 1.638400e+05 : f32
      %div3A_80 = vector.broadcast %div3A_79 : f32 to vector<1x64xf32>
      %div3A_81 = arith.divf %reduce_sum3A_76, %div3A_80 : vector<1x64xf32>
      %mul3A_82 = arith.mulf %div3A_78, %div3A_78 : vector<1x64xf32>
      %sub3A = arith.subf %div3A_81, %mul3A_82 : vector<1x64xf32>
      %get3A_83 = arith.constant 0 : index
      %get3A_84 = arith.constant 0 : index
      %get3A_85 = vector.load %arg5[%get3A_83, %get3A_84] : memref<1x64xf32, #tpu.memory_space<vmem>>, vector<1x64xf32>
      %add3A_86 = arith.constant 9.99999974E-6 : f32
      %add3A_87 = vector.broadcast %add3A_86 : f32 to vector<1x64xf32>
      %add3A_88 = arith.addf %sub3A, %add3A_87 : vector<1x64xf32>
      %rsqrt3A = math.rsqrt %add3A_88 : vector<1x64xf32>
      %mul3A_89 = arith.mulf %get3A_85, %rsqrt3A : vector<1x64xf32>
      %swap3A_90 = arith.constant 0 : index
      %swap3A_91 = arith.constant 0 : index
      %swap3A_92 = vector.load %arg12[%swap3A_90, %swap3A_91] : memref<1x64xf32, #tpu.memory_space<vmem>>, vector<1x64xf32>
      tpu.vector_store %arg12[%swap3A_90, %swap3A_91], %mul3A_89 {strides = array<i32>} : memref<1x64xf32, #tpu.memory_space<vmem>>, vector<1x64xf32>,
      %get3A_93 = arith.constant 0 : index
      %get3A_94 = arith.constant 0 : index
      %get3A_95 = vector.load %arg6[%get3A_93, %get3A_94] : memref<1x64xf32, #tpu.memory_space<vmem>>, vector<1x64xf32>
      %mul3A_96 = arith.mulf %div3A_78, %mul3A_89 : vector<1x64xf32>
      %sub3A_97 = arith.subf %get3A_95, %mul3A_96 : vector<1x64xf32>
      %swap3A_98 = arith.constant 0 : index
      %swap3A_99 = arith.constant 0 : index
      %swap3A_100 = vector.load %arg13[%swap3A_98, %swap3A_99] : memref<1x64xf32, #tpu.memory_space<vmem>>, vector<1x64xf32>
      tpu.vector_store %arg13[%swap3A_98, %swap3A_99], %sub3A_97 {strides = array<i32>} : memref<1x64xf32, #tpu.memory_space<vmem>>, vector<1x64xf32>,
    } else {
    }
    %get3A = arith.constant 0 : index
    %get3A_4 = arith.constant 0 : index
    %get3A_5 = arith.constant 0 : index
    %get3A_6 = vector.load %arg2[%get3A, %get3A_4, %get3A_5] : memref<1x1024x64xf32, #tpu.memory_space<vmem>>, vector<1x1024x64xf32>
    %get3A_7 = vector.shape_cast %get3A_6 : vector<1x1024x64xf32> to vector<1024x64xf32>
    %get3A_8 = arith.constant 0 : index
    %get3A_9 = arith.constant 0 : index
    %get3A_10 = vector.load %arg12[%get3A_8, %get3A_9] : memref<1x64xf32, #tpu.memory_space<vmem>>, vector<1x64xf32>
    %mul3A = vector.broadcast %get3A_10 : vector<1x64xf32> to vector<1024x64xf32>
    %mul3A_11 = arith.mulf %get3A_7, %mul3A : vector<1024x64xf32>
    %get3A_12 = arith.constant 0 : index
    %get3A_13 = arith.constant 0 : index
    %get3A_14 = vector.load %arg13[%get3A_12, %get3A_13] : memref<1x64xf32, #tpu.memory_space<vmem>>, vector<1x64xf32>
    %add3A = vector.broadcast %get3A_14 : vector<1x64xf32> to vector<1024x64xf32>
    %add3A_15 = arith.addf %mul3A_11, %add3A : vector<1024x64xf32>
    %max3A = arith.constant 0.000000e+00 : f32
    %max3A_16 = vector.broadcast %max3A : f32 to vector<1024x64xf32>
    %max3A_17 = arith.maximumf %add3A_15, %max3A_16 : vector<1024x64xf32>
    %get3A_18 = arith.constant 0 : index
    %get3A_19 = arith.constant 0 : index
    %get3A_20 = vector.load %arg7[%get3A_18, %get3A_19] : memref<128x64xf32, #tpu.memory_space<vmem>>, vector<128x64xf32>
    %dot_general3A = arith.constant dense<0.000000e+00> : vector<1024x128xf32>
    %dot_general3A_21 = tpu.matmul %max3A_17, %get3A_20, %dot_general3A {dimension_numbers = #tpu.dot_dimension_numbers<[1], [1], [0], [0], [0, 0, 1, 0], [], []>, transpose_lhs_hint = false} : vector<1024x64xf32>, vector<128x64xf32>, vector<1024x128xf32> -> vector<1024x128xf32>
    %eq3A_22 = arith.constant 0 : i32
    %eq3A_23 = arith.cmpi eq, %arg1, %eq3A_22 : i32
    %convert_element_type3A_24 = arith.extui %eq3A_23 : i1 to i32
    %cond3A_25 = arith.constant 0 : i32
    %cond3A_26 = arith.cmpi ne, %convert_element_type3A_24, %cond3A_25 : i32
    scf.if %cond3A_26 {
      %swap3A_65 = arith.constant 0 : index
      %swap3A_66 = arith.constant 0 : index
      %swap3A_67 = arith.constant 0 : index
      %swap3A_68 = vector.load %arg9[%swap3A_65, %swap3A_66, %swap3A_67] : memref<1x1024x64xf32, #tpu.memory_space<vmem>>, vector<1x1024x64xf32>
      %swap3A_69 = vector.shape_cast %swap3A_68 : vector<1x1024x64xf32> to vector<1024x64xf32>
      %swap3A_70 = vector.shape_cast %max3A_17 : vector<1024x64xf32> to vector<1x1024x64xf32>
      tpu.vector_store %arg9[%swap3A_65, %swap3A_66, %swap3A_67], %swap3A_70 {strides = array<i32>} : memref<1x1024x64xf32, #tpu.memory_space<vmem>>, vector<1x1024x64xf32>,
      %broadcast_in_dim3A_71 = arith.constant 0.000000e+00 : f32
      %broadcast_in_dim3A_72 = vector.broadcast %broadcast_in_dim3A_71 : f32 to vector<1x128xf32>
      %swap3A_73 = arith.constant 0 : index
      %swap3A_74 = arith.constant 0 : index
      %swap3A_75 = arith.constant 0 : index
      %swap3A_76 = vector.load %arg10[%swap3A_73, %swap3A_74, %swap3A_75] : memref<1x1x128xf32, #tpu.memory_space<vmem>>, vector<1x1x128xf32>
      %swap3A_77 = vector.shape_cast %swap3A_76 : vector<1x1x128xf32> to vector<1x128xf32>
      %swap3A_78 = vector.shape_cast %broadcast_in_dim3A_72 : vector<1x128xf32> to vector<1x1x128xf32>
      tpu.vector_store %arg10[%swap3A_73, %swap3A_74, %swap3A_75], %swap3A_78 {strides = array<i32>} : memref<1x1x128xf32, #tpu.memory_space<vmem>>, vector<1x1x128xf32>,
      %broadcast_in_dim3A_79 = arith.constant 0.000000e+00 : f32
      %broadcast_in_dim3A_80 = vector.broadcast %broadcast_in_dim3A_79 : f32 to vector<1x128xf32>
      %swap3A_81 = arith.constant 0 : index
      %swap3A_82 = arith.constant 0 : index
      %swap3A_83 = arith.constant 0 : index
      %swap3A_84 = vector.load %arg11[%swap3A_81, %swap3A_82, %swap3A_83] : memref<1x1x128xf32, #tpu.memory_space<vmem>>, vector<1x1x128xf32>
      %swap3A_85 = vector.shape_cast %swap3A_84 : vector<1x1x128xf32> to vector<1x128xf32>
      %swap3A_86 = vector.shape_cast %broadcast_in_dim3A_80 : vector<1x128xf32> to vector<1x1x128xf32>
      tpu.vector_store %arg11[%swap3A_81, %swap3A_82, %swap3A_83], %swap3A_86 {strides = array<i32>} : memref<1x1x128xf32, #tpu.memory_space<vmem>>, vector<1x1x128xf32>,
    } else {
    }
    %gt3A = arith.constant 0 : i32
    %gt3A_27 = arith.cmpi sgt, %arg1, %gt3A : i32
    %convert_element_type3A_28 = arith.extui %gt3A_27 : i1 to i32
    %cond3A_29 = arith.constant 0 : i32
    %cond3A_30 = arith.cmpi ne, %convert_element_type3A_28, %cond3A_29 : i32
    scf.if %cond3A_30 {
      %get3A_65 = arith.constant 0 : index
      %get3A_66 = arith.constant 0 : index
      %get3A_67 = arith.constant 0 : index
      %get3A_68 = vector.load %arg9[%get3A_65, %get3A_66, %get3A_67] : memref<1x1024x64xf32, #tpu.memory_space<vmem>>, vector<1x1024x64xf32>
      %get3A_69 = vector.shape_cast %get3A_68 : vector<1x1024x64xf32> to vector<1024x64xf32>
      %max3A_70 = arith.maximumf %get3A_69, %max3A_17 : vector<1024x64xf32>
      %swap3A_71 = arith.constant 0 : index
      %swap3A_72 = arith.constant 0 : index
      %swap3A_73 = arith.constant 0 : index
      %swap3A_74 = vector.load %arg9[%swap3A_71, %swap3A_72, %swap3A_73] : memref<1x1024x64xf32, #tpu.memory_space<vmem>>, vector<1x1024x64xf32>
      %swap3A_75 = vector.shape_cast %swap3A_74 : vector<1x1024x64xf32> to vector<1024x64xf32>
      %swap3A_76 = vector.shape_cast %max3A_70 : vector<1024x64xf32> to vector<1x1024x64xf32>
      tpu.vector_store %arg9[%swap3A_71, %swap3A_72, %swap3A_73], %swap3A_76 {strides = array<i32>} : memref<1x1024x64xf32, #tpu.memory_space<vmem>>, vector<1x1024x64xf32>,
    } else {
    }
    %swap3A = arith.constant 0 : index
    %swap3A_31 = arith.constant 0 : index
    %swap3A_32 = arith.constant 0 : index
    %swap3A_33 = vector.load %arg8[%swap3A, %swap3A_31, %swap3A_32] : memref<1x1024x128xf32, #tpu.memory_space<vmem>>, vector<1x1024x128xf32>
    %swap3A_34 = vector.shape_cast %swap3A_33 : vector<1x1024x128xf32> to vector<1024x128xf32>
    %swap3A_35 = vector.shape_cast %dot_general3A_21 : vector<1024x128xf32> to vector<1x1024x128xf32>
    tpu.vector_store %arg8[%swap3A, %swap3A_31, %swap3A_32], %swap3A_35 {strides = array<i32>} : memref<1x1024x128xf32, #tpu.memory_space<vmem>>, vector<1x1024x128xf32>,
    %get3A_36 = arith.constant 0 : index
    %get3A_37 = arith.constant 0 : index
    %get3A_38 = arith.constant 0 : index
    %get3A_39 = vector.load %arg10[%get3A_36, %get3A_37, %get3A_38] : memref<1x1x128xf32, #tpu.memory_space<vmem>>, vector<1x1x128xf32>
    %get3A_40 = vector.shape_cast %get3A_39 : vector<1x1x128xf32> to vector<1x128xf32>
    %reduce_sum3A = arith.constant dense<0.000000e+00> : vector<128xf32>
    %reduce_sum3A_41 = vector.multi_reduction <add>, %dot_general3A_21, %reduce_sum3A [0] : vector<1024x128xf32> to vector<128xf32>
    %broadcast_in_dim3A = vector.shape_cast %reduce_sum3A_41 : vector<128xf32> to vector<1x128xf32>
    %add3A_42 = arith.addf %get3A_40, %broadcast_in_dim3A : vector<1x128xf32>
    %swap3A_43 = arith.constant 0 : index
    %swap3A_44 = arith.constant 0 : index
    %swap3A_45 = arith.constant 0 : index
    %swap3A_46 = vector.load %arg10[%swap3A_43, %swap3A_44, %swap3A_45] : memref<1x1x128xf32, #tpu.memory_space<vmem>>, vector<1x1x128xf32>
    %swap3A_47 = vector.shape_cast %swap3A_46 : vector<1x1x128xf32> to vector<1x128xf32>
    %swap3A_48 = vector.shape_cast %add3A_42 : vector<1x128xf32> to vector<1x1x128xf32>
    tpu.vector_store %arg10[%swap3A_43, %swap3A_44, %swap3A_45], %swap3A_48 {strides = array<i32>} : memref<1x1x128xf32, #tpu.memory_space<vmem>>, vector<1x1x128xf32>,
    %get3A_49 = arith.constant 0 : index
    %get3A_50 = arith.constant 0 : index
    %get3A_51 = arith.constant 0 : index
    %get3A_52 = vector.load %arg11[%get3A_49, %get3A_50, %get3A_51] : memref<1x1x128xf32, #tpu.memory_space<vmem>>, vector<1x1x128xf32>
    %get3A_53 = vector.shape_cast %get3A_52 : vector<1x1x128xf32> to vector<1x128xf32>
    %mul3A_54 = arith.mulf %dot_general3A_21, %dot_general3A_21 : vector<1024x128xf32>
    %reduce_sum3A_55 = arith.constant dense<0.000000e+00> : vector<128xf32>
    %reduce_sum3A_56 = vector.multi_reduction <add>, %mul3A_54, %reduce_sum3A_55 [0] : vector<1024x128xf32> to vector<128xf32>
    %broadcast_in_dim3A_57 = vector.shape_cast %reduce_sum3A_56 : vector<128xf32> to vector<1x128xf32>
    %add3A_58 = arith.addf %get3A_53, %broadcast_in_dim3A_57 : vector<1x128xf32>
    %swap3A_59 = arith.constant 0 : index
    %swap3A_60 = arith.constant 0 : index
    %swap3A_61 = arith.constant 0 : index
    %swap3A_62 = vector.load %arg11[%swap3A_59, %swap3A_60, %swap3A_61] : memref<1x1x128xf32, #tpu.memory_space<vmem>>, vector<1x1x128xf32>
    %swap3A_63 = vector.shape_cast %swap3A_62 : vector<1x1x128xf32> to vector<1x128xf32>
    %swap3A_64 = vector.shape_cast %add3A_58 : vector<1x128xf32> to vector<1x1x128xf32>
    tpu.vector_store %arg11[%swap3A_59, %swap3A_60, %swap3A_61], %swap3A_64 {strides = array<i32>} : memref<1x1x128xf32, #tpu.memory_space<vmem>>, vector<1x1x128xf32>,
    return
  }
  func.func @transform_0(%arg0: i32, %arg1: i32) -> (i32, i32, i32) {
    %c0_i32 = arith.constant 0 : i32
    %c0_i32_0 = arith.constant 0 : i32
    return %arg0, %arg1, %c0_i32 : i32, i32, i32
  }
  func.func @transform_1(%arg0: i32, %arg1: i32) -> (i32, i32, i32) {
    %c0_i32 = arith.constant 0 : i32
    %c0_i32_0 = arith.constant 0 : i32
    %c0_i32_1 = arith.constant 0 : i32
    %c0_i32_2 = arith.constant 0 : i32
    return %c0_i32, %c0_i32_0, %c0_i32_1 : i32, i32, i32
  }
  func.func @transform_2(%arg0: i32, %arg1: i32) -> (i32, i32, i32) {
    %c0_i32 = arith.constant 0 : i32
    %c0_i32_0 = arith.constant 0 : i32
    %c0_i32_1 = arith.constant 0 : i32
    %c0_i32_2 = arith.constant 0 : i32
    return %c0_i32, %c0_i32_0, %c0_i32_1 : i32, i32, i32
  }
  func.func @transform_3(%arg0: i32, %arg1: i32) -> (i32, i32) {
    %c0_i32 = arith.constant 0 : i32
    %c0_i32_0 = arith.constant 0 : i32
    %c0_i32_1 = arith.constant 0 : i32
    return %c0_i32, %c0_i32_0 : i32, i32
  }
  func.func @transform_4(%arg0: i32, %arg1: i32) -> (i32, i32) {
    %c0_i32 = arith.constant 0 : i32
    %c0_i32_0 = arith.constant 0 : i32
    %c0_i32_1 = arith.constant 0 : i32
    return %c0_i32, %c0_i32_0 : i32, i32
  }
  func.func @transform_5(%arg0: i32, %arg1: i32) -> (i32, i32) {
    %c0_i32 = arith.constant 0 : i32
    %c0_i32_0 = arith.constant 0 : i32
    %c0_i32_1 = arith.constant 0 : i32
    return %c0_i32, %c0_i32_0 : i32, i32
  }
  func.func @transform_6(%arg0: i32, %arg1: i32) -> (i32, i32, i32) {
    %c0_i32 = arith.constant 0 : i32
    %c0_i32_0 = arith.constant 0 : i32
    return %arg0, %arg1, %c0_i32 : i32, i32, i32
  }
  func.func @transform_7(%arg0: i32, %arg1: i32) -> (i32, i32, i32) {
    %c0_i32 = arith.constant 0 : i32
    %c0_i32_0 = arith.constant 0 : i32
    %c0_i32_1 = arith.constant 0 : i32
    return %arg0, %c0_i32, %c0_i32_0 : i32, i32, i32
  }
  func.func @transform_8(%arg0: i32, %arg1: i32) -> (i32, i32, i32) {
    %c0_i32 = arith.constant 0 : i32
    %c0_i32_0 = arith.constant 0 : i32
    %c0_i32_1 = arith.constant 0 : i32
    return %arg0, %c0_i32, %c0_i32_0 : i32, i32, i32
  }
  func.func @transform_9(%arg0: i32, %arg1: i32) -> (i32, i32, i32) {
    %c0_i32 = arith.constant 0 : i32
    %c0_i32_0 = arith.constant 0 : i32
    %c0_i32_1 = arith.constant 0 : i32
    return %arg0, %c0_i32, %c0_i32_0 : i32, i32, i32
  }
}

module attributes {stable_mosaic.version = 14 : i64} {
  func.func @body(%arg0: i32, %arg1: i32, %arg2: memref<1x1024x128xf32, #tpu.memory_space<vmem>>, %arg3: memref<8x1x128xf32, #tpu.memory_space<vmem>>, %arg4: memref<8x1x128xf32, #tpu.memory_space<vmem>>, %arg5: memref<1x128xf32, #tpu.memory_space<vmem>>, %arg6: memref<1x128xf32, #tpu.memory_space<vmem>>, %arg7: memref<256x128xf32, #tpu.memory_space<vmem>>, %arg8: memref<1x1024x128xf32, #tpu.memory_space<vmem>>, %arg9: memref<1x1024x256xf32, #tpu.memory_space<vmem>>, %arg10: memref<1x1024x256xf32, #tpu.memory_space<vmem>>, %arg11: memref<1x1x256xf32, #tpu.memory_space<vmem>>, %arg12: memref<1x1x256xf32, #tpu.memory_space<vmem>>, %arg13: memref<1x128xf32, #tpu.memory_space<vmem>>, %arg14: memref<1x128xf32, #tpu.memory_space<vmem>>) attributes {dimension_semantics = [#tpu.dimension_semantics<arbitrary>, #tpu.dimension_semantics<arbitrary>], iteration_bounds = array<i64: 8, 20>, scalar_prefetch = 0 : i64, scratch_operands = 2 : i64, tpu.core_type = #tpu.core_type<tc>, window_params = [{transform_indices = @transform_0, window_bounds = array<i64: 1, 1024, 128>}, {pipeline_mode = #tpu.pipeline_mode<synchronous>, transform_indices = @transform_1, window_bounds = array<i64: 8, 1, 128>}, {pipeline_mode = #tpu.pipeline_mode<synchronous>, transform_indices = @transform_2, window_bounds = array<i64: 8, 1, 128>}, {pipeline_mode = #tpu.pipeline_mode<synchronous>, transform_indices = @transform_3, window_bounds = array<i64: 1, 128>}, {pipeline_mode = #tpu.pipeline_mode<synchronous>, transform_indices = @transform_4, window_bounds = array<i64: 1, 128>}, {pipeline_mode = #tpu.pipeline_mode<synchronous>, transform_indices = @transform_5, window_bounds = array<i64: 256, 128>}, {transform_indices = @transform_6, window_bounds = array<i64: 1, 1024, 128>}, {transform_indices = @transform_7, window_bounds = array<i64: 1, 1024, 256>}, {transform_indices = @transform_8, window_bounds = array<i64: 1, 1024, 256>}, {transform_indices = @transform_9, window_bounds = array<i64: 1, 1, 256>}, {transform_indices = @transform_10, window_bounds = array<i64: 1, 1, 256>}]} {
    %eq3A = arith.constant 0 : i32
    %eq3A_0 = arith.cmpi eq, %arg0, %eq3A : i32
    %eq3A_1 = arith.constant 0 : i32
    %eq3A_2 = arith.cmpi eq, %arg1, %eq3A_1 : i32
    %and3A = arith.andi %eq3A_0, %eq3A_2 : i1
    %convert_element_type3A = arith.extui %and3A : i1 to i32
    %cond3A = arith.constant 0 : i32
    %cond3A_3 = arith.cmpi ne, %convert_element_type3A, %cond3A : i32
    scf.if %cond3A_3 {
      %get3A_59 = arith.constant 0 : index
      %get3A_60 = arith.constant 0 : index
      %get3A_61 = arith.constant 0 : index
      %get3A_62 = vector.load %arg3[%get3A_59, %get3A_60, %get3A_61] : memref<8x1x128xf32, #tpu.memory_space<vmem>>, vector<8x1x128xf32>
      %reduce_sum3A_63 = arith.constant dense<0.000000e+00> : vector<1x128xf32>
      %reduce_sum3A_64 = vector.multi_reduction <add>, %get3A_62, %reduce_sum3A_63 [0] : vector<8x1x128xf32> to vector<1x128xf32>
      %get3A_65 = arith.constant 0 : index
      %get3A_66 = arith.constant 0 : index
      %get3A_67 = arith.constant 0 : index
      %get3A_68 = vector.load %arg4[%get3A_65, %get3A_66, %get3A_67] : memref<8x1x128xf32, #tpu.memory_space<vmem>>, vector<8x1x128xf32>
      %reduce_sum3A_69 = arith.constant dense<0.000000e+00> : vector<1x128xf32>
      %reduce_sum3A_70 = vector.multi_reduction <add>, %get3A_68, %reduce_sum3A_69 [0] : vector<8x1x128xf32> to vector<1x128xf32>
      %div3A = arith.constant 1.638400e+05 : f32
      %div3A_71 = vector.broadcast %div3A : f32 to vector<1x128xf32>
      %div3A_72 = arith.divf %reduce_sum3A_64, %div3A_71 : vector<1x128xf32>
      %div3A_73 = arith.constant 1.638400e+05 : f32
      %div3A_74 = vector.broadcast %div3A_73 : f32 to vector<1x128xf32>
      %div3A_75 = arith.divf %reduce_sum3A_70, %div3A_74 : vector<1x128xf32>
      %mul3A_76 = arith.mulf %div3A_72, %div3A_72 : vector<1x128xf32>
      %sub3A = arith.subf %div3A_75, %mul3A_76 : vector<1x128xf32>
      %get3A_77 = arith.constant 0 : index
      %get3A_78 = arith.constant 0 : index
      %get3A_79 = vector.load %arg5[%get3A_77, %get3A_78] : memref<1x128xf32, #tpu.memory_space<vmem>>, vector<1x128xf32>
      %add3A_80 = arith.constant 9.99999974E-6 : f32
      %add3A_81 = vector.broadcast %add3A_80 : f32 to vector<1x128xf32>
      %add3A_82 = arith.addf %sub3A, %add3A_81 : vector<1x128xf32>
      %rsqrt3A = math.rsqrt %add3A_82 : vector<1x128xf32>
      %mul3A_83 = arith.mulf %get3A_79, %rsqrt3A : vector<1x128xf32>
      %swap3A_84 = arith.constant 0 : index
      %swap3A_85 = arith.constant 0 : index
      %swap3A_86 = vector.load %arg13[%swap3A_84, %swap3A_85] : memref<1x128xf32, #tpu.memory_space<vmem>>, vector<1x128xf32>
      tpu.vector_store %arg13[%swap3A_84, %swap3A_85], %mul3A_83 {strides = array<i32>} : memref<1x128xf32, #tpu.memory_space<vmem>>, vector<1x128xf32>,
      %get3A_87 = arith.constant 0 : index
      %get3A_88 = arith.constant 0 : index
      %get3A_89 = vector.load %arg6[%get3A_87, %get3A_88] : memref<1x128xf32, #tpu.memory_space<vmem>>, vector<1x128xf32>
      %mul3A_90 = arith.mulf %div3A_72, %mul3A_83 : vector<1x128xf32>
      %sub3A_91 = arith.subf %get3A_89, %mul3A_90 : vector<1x128xf32>
      %swap3A_92 = arith.constant 0 : index
      %swap3A_93 = arith.constant 0 : index
      %swap3A_94 = vector.load %arg14[%swap3A_92, %swap3A_93] : memref<1x128xf32, #tpu.memory_space<vmem>>, vector<1x128xf32>
      tpu.vector_store %arg14[%swap3A_92, %swap3A_93], %sub3A_91 {strides = array<i32>} : memref<1x128xf32, #tpu.memory_space<vmem>>, vector<1x128xf32>,
    } else {
    }
    %get3A = arith.constant 0 : index
    %get3A_4 = arith.constant 0 : index
    %get3A_5 = arith.constant 0 : index
    %get3A_6 = vector.load %arg2[%get3A, %get3A_4, %get3A_5] : memref<1x1024x128xf32, #tpu.memory_space<vmem>>, vector<1x1024x128xf32>
    %get3A_7 = vector.shape_cast %get3A_6 : vector<1x1024x128xf32> to vector<1024x128xf32>
    %get3A_8 = arith.constant 0 : index
    %get3A_9 = arith.constant 0 : index
    %get3A_10 = vector.load %arg13[%get3A_8, %get3A_9] : memref<1x128xf32, #tpu.memory_space<vmem>>, vector<1x128xf32>
    %mul3A = vector.broadcast %get3A_10 : vector<1x128xf32> to vector<1024x128xf32>
    %mul3A_11 = arith.mulf %get3A_7, %mul3A : vector<1024x128xf32>
    %get3A_12 = arith.constant 0 : index
    %get3A_13 = arith.constant 0 : index
    %get3A_14 = vector.load %arg14[%get3A_12, %get3A_13] : memref<1x128xf32, #tpu.memory_space<vmem>>, vector<1x128xf32>
    %add3A = vector.broadcast %get3A_14 : vector<1x128xf32> to vector<1024x128xf32>
    %add3A_15 = arith.addf %mul3A_11, %add3A : vector<1024x128xf32>
    %max3A = arith.constant 0.000000e+00 : f32
    %max3A_16 = vector.broadcast %max3A : f32 to vector<1024x128xf32>
    %max3A_17 = arith.maximumf %add3A_15, %max3A_16 : vector<1024x128xf32>
    %get3A_18 = arith.constant 0 : index
    %get3A_19 = arith.constant 0 : index
    %get3A_20 = vector.load %arg7[%get3A_18, %get3A_19] : memref<256x128xf32, #tpu.memory_space<vmem>>, vector<256x128xf32>
    %dot_general3A = arith.constant dense<0.000000e+00> : vector<1024x256xf32>
    %dot_general3A_21 = tpu.matmul %max3A_17, %get3A_20, %dot_general3A {dimension_numbers = #tpu.dot_dimension_numbers<[1], [1], [0], [0], [0, 0, 1, 0], [], []>, transpose_lhs_hint = false} : vector<1024x128xf32>, vector<256x128xf32>, vector<1024x256xf32> -> vector<1024x256xf32>
    %eq3A_22 = arith.constant 0 : i32
    %eq3A_23 = arith.cmpi eq, %arg1, %eq3A_22 : i32
    %convert_element_type3A_24 = arith.extui %eq3A_23 : i1 to i32
    %cond3A_25 = arith.constant 0 : i32
    %cond3A_26 = arith.cmpi ne, %convert_element_type3A_24, %cond3A_25 : i32
    scf.if %cond3A_26 {
      %swap3A_59 = arith.constant 0 : index
      %swap3A_60 = arith.constant 0 : index
      %swap3A_61 = arith.constant 0 : index
      %swap3A_62 = vector.load %arg8[%swap3A_59, %swap3A_60, %swap3A_61] : memref<1x1024x128xf32, #tpu.memory_space<vmem>>, vector<1x1024x128xf32>
      %swap3A_63 = vector.shape_cast %swap3A_62 : vector<1x1024x128xf32> to vector<1024x128xf32>
      %swap3A_64 = vector.shape_cast %max3A_17 : vector<1024x128xf32> to vector<1x1024x128xf32>
      tpu.vector_store %arg8[%swap3A_59, %swap3A_60, %swap3A_61], %swap3A_64 {strides = array<i32>} : memref<1x1024x128xf32, #tpu.memory_space<vmem>>, vector<1x1024x128xf32>,
      %broadcast_in_dim3A_65 = arith.constant 0.000000e+00 : f32
      %broadcast_in_dim3A_66 = vector.broadcast %broadcast_in_dim3A_65 : f32 to vector<1x256xf32>
      %swap3A_67 = arith.constant 0 : index
      %swap3A_68 = arith.constant 0 : index
      %swap3A_69 = arith.constant 0 : index
      %swap3A_70 = vector.load %arg11[%swap3A_67, %swap3A_68, %swap3A_69] : memref<1x1x256xf32, #tpu.memory_space<vmem>>, vector<1x1x256xf32>
      %swap3A_71 = vector.shape_cast %swap3A_70 : vector<1x1x256xf32> to vector<1x256xf32>
      %swap3A_72 = vector.shape_cast %broadcast_in_dim3A_66 : vector<1x256xf32> to vector<1x1x256xf32>
      tpu.vector_store %arg11[%swap3A_67, %swap3A_68, %swap3A_69], %swap3A_72 {strides = array<i32>} : memref<1x1x256xf32, #tpu.memory_space<vmem>>, vector<1x1x256xf32>,
      %broadcast_in_dim3A_73 = arith.constant 0.000000e+00 : f32
      %broadcast_in_dim3A_74 = vector.broadcast %broadcast_in_dim3A_73 : f32 to vector<1x256xf32>
      %swap3A_75 = arith.constant 0 : index
      %swap3A_76 = arith.constant 0 : index
      %swap3A_77 = arith.constant 0 : index
      %swap3A_78 = vector.load %arg12[%swap3A_75, %swap3A_76, %swap3A_77] : memref<1x1x256xf32, #tpu.memory_space<vmem>>, vector<1x1x256xf32>
      %swap3A_79 = vector.shape_cast %swap3A_78 : vector<1x1x256xf32> to vector<1x256xf32>
      %swap3A_80 = vector.shape_cast %broadcast_in_dim3A_74 : vector<1x256xf32> to vector<1x1x256xf32>
      tpu.vector_store %arg12[%swap3A_75, %swap3A_76, %swap3A_77], %swap3A_80 {strides = array<i32>} : memref<1x1x256xf32, #tpu.memory_space<vmem>>, vector<1x1x256xf32>,
      %swap3A_81 = arith.constant 0 : index
      %swap3A_82 = arith.constant 0 : index
      %swap3A_83 = arith.constant 0 : index
      %swap3A_84 = vector.load %arg9[%swap3A_81, %swap3A_82, %swap3A_83] : memref<1x1024x256xf32, #tpu.memory_space<vmem>>, vector<1x1024x256xf32>
      %swap3A_85 = vector.shape_cast %swap3A_84 : vector<1x1024x256xf32> to vector<1024x256xf32>
      %swap3A_86 = vector.shape_cast %dot_general3A_21 : vector<1024x256xf32> to vector<1x1024x256xf32>
      tpu.vector_store %arg9[%swap3A_81, %swap3A_82, %swap3A_83], %swap3A_86 {strides = array<i32>} : memref<1x1024x256xf32, #tpu.memory_space<vmem>>, vector<1x1024x256xf32>,
      %swap3A_87 = arith.constant 0 : index
      %swap3A_88 = arith.constant 0 : index
      %swap3A_89 = arith.constant 0 : index
      %swap3A_90 = vector.load %arg10[%swap3A_87, %swap3A_88, %swap3A_89] : memref<1x1024x256xf32, #tpu.memory_space<vmem>>, vector<1x1024x256xf32>
      %swap3A_91 = vector.shape_cast %swap3A_90 : vector<1x1024x256xf32> to vector<1024x256xf32>
      %swap3A_92 = vector.shape_cast %dot_general3A_21 : vector<1024x256xf32> to vector<1x1024x256xf32>
      tpu.vector_store %arg10[%swap3A_87, %swap3A_88, %swap3A_89], %swap3A_92 {strides = array<i32>} : memref<1x1024x256xf32, #tpu.memory_space<vmem>>, vector<1x1024x256xf32>,
    } else {
    }
    %gt3A = arith.constant 0 : i32
    %gt3A_27 = arith.cmpi sgt, %arg1, %gt3A : i32
    %convert_element_type3A_28 = arith.extui %gt3A_27 : i1 to i32
    %cond3A_29 = arith.constant 0 : i32
    %cond3A_30 = arith.cmpi ne, %convert_element_type3A_28, %cond3A_29 : i32
    scf.if %cond3A_30 {
      %get3A_59 = arith.constant 0 : index
      %get3A_60 = arith.constant 0 : index
      %get3A_61 = arith.constant 0 : index
      %get3A_62 = vector.load %arg8[%get3A_59, %get3A_60, %get3A_61] : memref<1x1024x128xf32, #tpu.memory_space<vmem>>, vector<1x1024x128xf32>
      %get3A_63 = vector.shape_cast %get3A_62 : vector<1x1024x128xf32> to vector<1024x128xf32>
      %max3A_64 = arith.maximumf %get3A_63, %max3A_17 : vector<1024x128xf32>
      %swap3A_65 = arith.constant 0 : index
      %swap3A_66 = arith.constant 0 : index
      %swap3A_67 = arith.constant 0 : index
      %swap3A_68 = vector.load %arg8[%swap3A_65, %swap3A_66, %swap3A_67] : memref<1x1024x128xf32, #tpu.memory_space<vmem>>, vector<1x1024x128xf32>
      %swap3A_69 = vector.shape_cast %swap3A_68 : vector<1x1024x128xf32> to vector<1024x128xf32>
      %swap3A_70 = vector.shape_cast %max3A_64 : vector<1024x128xf32> to vector<1x1024x128xf32>
      tpu.vector_store %arg8[%swap3A_65, %swap3A_66, %swap3A_67], %swap3A_70 {strides = array<i32>} : memref<1x1024x128xf32, #tpu.memory_space<vmem>>, vector<1x1024x128xf32>,
      %get3A_71 = arith.constant 0 : index
      %get3A_72 = arith.constant 0 : index
      %get3A_73 = arith.constant 0 : index
      %get3A_74 = vector.load %arg9[%get3A_71, %get3A_72, %get3A_73] : memref<1x1024x256xf32, #tpu.memory_space<vmem>>, vector<1x1024x256xf32>
      %get3A_75 = vector.shape_cast %get3A_74 : vector<1x1024x256xf32> to vector<1024x256xf32>
      %max3A_76 = arith.maximumf %get3A_75, %dot_general3A_21 : vector<1024x256xf32>
      %swap3A_77 = arith.constant 0 : index
      %swap3A_78 = arith.constant 0 : index
      %swap3A_79 = arith.constant 0 : index
      %swap3A_80 = vector.load %arg9[%swap3A_77, %swap3A_78, %swap3A_79] : memref<1x1024x256xf32, #tpu.memory_space<vmem>>, vector<1x1024x256xf32>
      %swap3A_81 = vector.shape_cast %swap3A_80 : vector<1x1024x256xf32> to vector<1024x256xf32>
      %swap3A_82 = vector.shape_cast %max3A_76 : vector<1024x256xf32> to vector<1x1024x256xf32>
      tpu.vector_store %arg9[%swap3A_77, %swap3A_78, %swap3A_79], %swap3A_82 {strides = array<i32>} : memref<1x1024x256xf32, #tpu.memory_space<vmem>>, vector<1x1024x256xf32>,
      %get3A_83 = arith.constant 0 : index
      %get3A_84 = arith.constant 0 : index
      %get3A_85 = arith.constant 0 : index
      %get3A_86 = vector.load %arg10[%get3A_83, %get3A_84, %get3A_85] : memref<1x1024x256xf32, #tpu.memory_space<vmem>>, vector<1x1024x256xf32>
      %get3A_87 = vector.shape_cast %get3A_86 : vector<1x1024x256xf32> to vector<1024x256xf32>
      %min3A = arith.minimumf %get3A_87, %dot_general3A_21 : vector<1024x256xf32>
      %swap3A_88 = arith.constant 0 : index
      %swap3A_89 = arith.constant 0 : index
      %swap3A_90 = arith.constant 0 : index
      %swap3A_91 = vector.load %arg10[%swap3A_88, %swap3A_89, %swap3A_90] : memref<1x1024x256xf32, #tpu.memory_space<vmem>>, vector<1x1024x256xf32>
      %swap3A_92 = vector.shape_cast %swap3A_91 : vector<1x1024x256xf32> to vector<1024x256xf32>
      %swap3A_93 = vector.shape_cast %min3A : vector<1024x256xf32> to vector<1x1024x256xf32>
      tpu.vector_store %arg10[%swap3A_88, %swap3A_89, %swap3A_90], %swap3A_93 {strides = array<i32>} : memref<1x1024x256xf32, #tpu.memory_space<vmem>>, vector<1x1024x256xf32>,
    } else {
    }
    %get3A_31 = arith.constant 0 : index
    %get3A_32 = arith.constant 0 : index
    %get3A_33 = arith.constant 0 : index
    %get3A_34 = vector.load %arg11[%get3A_31, %get3A_32, %get3A_33] : memref<1x1x256xf32, #tpu.memory_space<vmem>>, vector<1x1x256xf32>
    %get3A_35 = vector.shape_cast %get3A_34 : vector<1x1x256xf32> to vector<1x256xf32>
    %reduce_sum3A = arith.constant dense<0.000000e+00> : vector<256xf32>
    %reduce_sum3A_36 = vector.multi_reduction <add>, %dot_general3A_21, %reduce_sum3A [0] : vector<1024x256xf32> to vector<256xf32>
    %broadcast_in_dim3A = vector.shape_cast %reduce_sum3A_36 : vector<256xf32> to vector<1x256xf32>
    %add3A_37 = arith.addf %get3A_35, %broadcast_in_dim3A : vector<1x256xf32>
    %swap3A = arith.constant 0 : index
    %swap3A_38 = arith.constant 0 : index
    %swap3A_39 = arith.constant 0 : index
    %swap3A_40 = vector.load %arg11[%swap3A, %swap3A_38, %swap3A_39] : memref<1x1x256xf32, #tpu.memory_space<vmem>>, vector<1x1x256xf32>
    %swap3A_41 = vector.shape_cast %swap3A_40 : vector<1x1x256xf32> to vector<1x256xf32>
    %swap3A_42 = vector.shape_cast %add3A_37 : vector<1x256xf32> to vector<1x1x256xf32>
    tpu.vector_store %arg11[%swap3A, %swap3A_38, %swap3A_39], %swap3A_42 {strides = array<i32>} : memref<1x1x256xf32, #tpu.memory_space<vmem>>, vector<1x1x256xf32>,
    %get3A_43 = arith.constant 0 : index
    %get3A_44 = arith.constant 0 : index
    %get3A_45 = arith.constant 0 : index
    %get3A_46 = vector.load %arg12[%get3A_43, %get3A_44, %get3A_45] : memref<1x1x256xf32, #tpu.memory_space<vmem>>, vector<1x1x256xf32>
    %get3A_47 = vector.shape_cast %get3A_46 : vector<1x1x256xf32> to vector<1x256xf32>
    %mul3A_48 = arith.mulf %dot_general3A_21, %dot_general3A_21 : vector<1024x256xf32>
    %reduce_sum3A_49 = arith.constant dense<0.000000e+00> : vector<256xf32>
    %reduce_sum3A_50 = vector.multi_reduction <add>, %mul3A_48, %reduce_sum3A_49 [0] : vector<1024x256xf32> to vector<256xf32>
    %broadcast_in_dim3A_51 = vector.shape_cast %reduce_sum3A_50 : vector<256xf32> to vector<1x256xf32>
    %add3A_52 = arith.addf %get3A_47, %broadcast_in_dim3A_51 : vector<1x256xf32>
    %swap3A_53 = arith.constant 0 : index
    %swap3A_54 = arith.constant 0 : index
    %swap3A_55 = arith.constant 0 : index
    %swap3A_56 = vector.load %arg12[%swap3A_53, %swap3A_54, %swap3A_55] : memref<1x1x256xf32, #tpu.memory_space<vmem>>, vector<1x1x256xf32>
    %swap3A_57 = vector.shape_cast %swap3A_56 : vector<1x1x256xf32> to vector<1x256xf32>
    %swap3A_58 = vector.shape_cast %add3A_52 : vector<1x256xf32> to vector<1x1x256xf32>
    tpu.vector_store %arg12[%swap3A_53, %swap3A_54, %swap3A_55], %swap3A_58 {strides = array<i32>} : memref<1x1x256xf32, #tpu.memory_space<vmem>>, vector<1x1x256xf32>,
    return
  }
  func.func @transform_0(%arg0: i32, %arg1: i32) -> (i32, i32, i32) {
    %c0_i32 = arith.constant 0 : i32
    %c0_i32_0 = arith.constant 0 : i32
    return %arg0, %arg1, %c0_i32 : i32, i32, i32
  }
  func.func @transform_1(%arg0: i32, %arg1: i32) -> (i32, i32, i32) {
    %c0_i32 = arith.constant 0 : i32
    %c0_i32_0 = arith.constant 0 : i32
    %c0_i32_1 = arith.constant 0 : i32
    %c0_i32_2 = arith.constant 0 : i32
    return %c0_i32, %c0_i32_0, %c0_i32_1 : i32, i32, i32
  }
  func.func @transform_2(%arg0: i32, %arg1: i32) -> (i32, i32, i32) {
    %c0_i32 = arith.constant 0 : i32
    %c0_i32_0 = arith.constant 0 : i32
    %c0_i32_1 = arith.constant 0 : i32
    %c0_i32_2 = arith.constant 0 : i32
    return %c0_i32, %c0_i32_0, %c0_i32_1 : i32, i32, i32
  }
  func.func @transform_3(%arg0: i32, %arg1: i32) -> (i32, i32) {
    %c0_i32 = arith.constant 0 : i32
    %c0_i32_0 = arith.constant 0 : i32
    %c0_i32_1 = arith.constant 0 : i32
    return %c0_i32, %c0_i32_0 : i32, i32
  }
  func.func @transform_4(%arg0: i32, %arg1: i32) -> (i32, i32) {
    %c0_i32 = arith.constant 0 : i32
    %c0_i32_0 = arith.constant 0 : i32
    %c0_i32_1 = arith.constant 0 : i32
    return %c0_i32, %c0_i32_0 : i32, i32
  }
  func.func @transform_5(%arg0: i32, %arg1: i32) -> (i32, i32) {
    %c0_i32 = arith.constant 0 : i32
    %c0_i32_0 = arith.constant 0 : i32
    %c0_i32_1 = arith.constant 0 : i32
    return %c0_i32, %c0_i32_0 : i32, i32
  }
  func.func @transform_6(%arg0: i32, %arg1: i32) -> (i32, i32, i32) {
    %c0_i32 = arith.constant 0 : i32
    %c0_i32_0 = arith.constant 0 : i32
    %c0_i32_1 = arith.constant 0 : i32
    return %arg0, %c0_i32, %c0_i32_0 : i32, i32, i32
  }
  func.func @transform_7(%arg0: i32, %arg1: i32) -> (i32, i32, i32) {
    %c0_i32 = arith.constant 0 : i32
    %c0_i32_0 = arith.constant 0 : i32
    %c0_i32_1 = arith.constant 0 : i32
    return %arg0, %c0_i32, %c0_i32_0 : i32, i32, i32
  }
  func.func @transform_8(%arg0: i32, %arg1: i32) -> (i32, i32, i32) {
    %c0_i32 = arith.constant 0 : i32
    %c0_i32_0 = arith.constant 0 : i32
    %c0_i32_1 = arith.constant 0 : i32
    return %arg0, %c0_i32, %c0_i32_0 : i32, i32, i32
  }
  func.func @transform_9(%arg0: i32, %arg1: i32) -> (i32, i32, i32) {
    %c0_i32 = arith.constant 0 : i32
    %c0_i32_0 = arith.constant 0 : i32
    %c0_i32_1 = arith.constant 0 : i32
    return %arg0, %c0_i32, %c0_i32_0 : i32, i32, i32
  }
  func.func @transform_10(%arg0: i32, %arg1: i32) -> (i32, i32, i32) {
    %c0_i32 = arith.constant 0 : i32
    %c0_i32_0 = arith.constant 0 : i32
    %c0_i32_1 = arith.constant 0 : i32
    return %arg0, %c0_i32, %c0_i32_0 : i32, i32, i32
  }
}

module attributes {stable_mosaic.version = 14 : i64} {
  func.func @_stage_f_body(%arg0: i32, %arg1: memref<1x1024x64xf32, #tpu.memory_space<vmem>>, %arg2: memref<1x1024x64xf32, #tpu.memory_space<vmem>>, %arg3: memref<1x1024x128xf32, #tpu.memory_space<vmem>>, %arg4: memref<1x1024x256xf32, #tpu.memory_space<vmem>>, %arg5: memref<1x1024x256xf32, #tpu.memory_space<vmem>>, %arg6: memref<8x1x256xf32, #tpu.memory_space<vmem>>, %arg7: memref<8x1x256xf32, #tpu.memory_space<vmem>>, %arg8: memref<1x256xf32, #tpu.memory_space<vmem>>, %arg9: memref<1x256xf32, #tpu.memory_space<vmem>>, %arg10: memref<1x1024x512xf32, #tpu.memory_space<vmem>>, %arg11: memref<1x512x512xf32, #tpu.memory_space<vmem>>, %arg12: memref<1x1x512xf32, #tpu.memory_space<vmem>>, %arg13: memref<1x256xf32, #tpu.memory_space<vmem>>, %arg14: memref<1x256xf32, #tpu.memory_space<vmem>>) attributes {dimension_semantics = [#tpu.dimension_semantics<arbitrary>], iteration_bounds = array<i64: 8>, scalar_prefetch = 0 : i64, scratch_operands = 2 : i64, tpu.core_type = #tpu.core_type<tc>, window_params = [{transform_indices = @transform_0, window_bounds = array<i64: 1, 1024, 64>}, {transform_indices = @transform_1, window_bounds = array<i64: 1, 1024, 64>}, {transform_indices = @transform_2, window_bounds = array<i64: 1, 1024, 128>}, {transform_indices = @transform_3, window_bounds = array<i64: 1, 1024, 256>}, {transform_indices = @transform_4, window_bounds = array<i64: 1, 1024, 256>}, {pipeline_mode = #tpu.pipeline_mode<synchronous>, transform_indices = @transform_5, window_bounds = array<i64: 8, 1, 256>}, {pipeline_mode = #tpu.pipeline_mode<synchronous>, transform_indices = @transform_6, window_bounds = array<i64: 8, 1, 256>}, {pipeline_mode = #tpu.pipeline_mode<synchronous>, transform_indices = @transform_7, window_bounds = array<i64: 1, 256>}, {pipeline_mode = #tpu.pipeline_mode<synchronous>, transform_indices = @transform_8, window_bounds = array<i64: 1, 256>}, {transform_indices = @transform_9, window_bounds = array<i64: 1, 1024, 512>}, {transform_indices = @transform_10, window_bounds = array<i64: 1, 512, 512>}, {transform_indices = @transform_11, window_bounds = array<i64: 1, 1, 512>}]} {
    %eq3A = arith.constant 0 : i32
    %eq3A_0 = arith.cmpi eq, %arg0, %eq3A : i32
    %convert_element_type3A = arith.extui %eq3A_0 : i1 to i32
    %cond3A = arith.constant 0 : i32
    %cond3A_1 = arith.cmpi ne, %convert_element_type3A, %cond3A : i32
    scf.if %cond3A_1 {
      %get3A_59 = arith.constant 0 : index
      %get3A_60 = arith.constant 0 : index
      %get3A_61 = arith.constant 0 : index
      %get3A_62 = vector.load %arg6[%get3A_59, %get3A_60, %get3A_61] : memref<8x1x256xf32, #tpu.memory_space<vmem>>, vector<8x1x256xf32>
      %reduce_sum3A_63 = arith.constant dense<0.000000e+00> : vector<1x256xf32>
      %reduce_sum3A_64 = vector.multi_reduction <add>, %get3A_62, %reduce_sum3A_63 [0] : vector<8x1x256xf32> to vector<1x256xf32>
      %get3A_65 = arith.constant 0 : index
      %get3A_66 = arith.constant 0 : index
      %get3A_67 = arith.constant 0 : index
      %get3A_68 = vector.load %arg7[%get3A_65, %get3A_66, %get3A_67] : memref<8x1x256xf32, #tpu.memory_space<vmem>>, vector<8x1x256xf32>
      %reduce_sum3A_69 = arith.constant dense<0.000000e+00> : vector<1x256xf32>
      %reduce_sum3A_70 = vector.multi_reduction <add>, %get3A_68, %reduce_sum3A_69 [0] : vector<8x1x256xf32> to vector<1x256xf32>
      %div3A = arith.constant 1.638400e+05 : f32
      %div3A_71 = vector.broadcast %div3A : f32 to vector<1x256xf32>
      %div3A_72 = arith.divf %reduce_sum3A_64, %div3A_71 : vector<1x256xf32>
      %div3A_73 = arith.constant 1.638400e+05 : f32
      %div3A_74 = vector.broadcast %div3A_73 : f32 to vector<1x256xf32>
      %div3A_75 = arith.divf %reduce_sum3A_70, %div3A_74 : vector<1x256xf32>
      %mul3A_76 = arith.mulf %div3A_72, %div3A_72 : vector<1x256xf32>
      %sub3A = arith.subf %div3A_75, %mul3A_76 : vector<1x256xf32>
      %get3A_77 = arith.constant 0 : index
      %get3A_78 = arith.constant 0 : index
      %get3A_79 = vector.load %arg8[%get3A_77, %get3A_78] : memref<1x256xf32, #tpu.memory_space<vmem>>, vector<1x256xf32>
      %add3A_80 = arith.constant 9.99999974E-6 : f32
      %add3A_81 = vector.broadcast %add3A_80 : f32 to vector<1x256xf32>
      %add3A_82 = arith.addf %sub3A, %add3A_81 : vector<1x256xf32>
      %rsqrt3A = math.rsqrt %add3A_82 : vector<1x256xf32>
      %mul3A_83 = arith.mulf %get3A_79, %rsqrt3A : vector<1x256xf32>
      %swap3A_84 = arith.constant 0 : index
      %swap3A_85 = arith.constant 0 : index
      %swap3A_86 = vector.load %arg13[%swap3A_84, %swap3A_85] : memref<1x256xf32, #tpu.memory_space<vmem>>, vector<1x256xf32>
      tpu.vector_store %arg13[%swap3A_84, %swap3A_85], %mul3A_83 {strides = array<i32>} : memref<1x256xf32, #tpu.memory_space<vmem>>, vector<1x256xf32>,
      %get3A_87 = arith.constant 0 : index
      %get3A_88 = arith.constant 0 : index
      %get3A_89 = vector.load %arg9[%get3A_87, %get3A_88] : memref<1x256xf32, #tpu.memory_space<vmem>>, vector<1x256xf32>
      %mul3A_90 = arith.mulf %div3A_72, %mul3A_83 : vector<1x256xf32>
      %sub3A_91 = arith.subf %get3A_89, %mul3A_90 : vector<1x256xf32>
      %swap3A_92 = arith.constant 0 : index
      %swap3A_93 = arith.constant 0 : index
      %swap3A_94 = vector.load %arg14[%swap3A_92, %swap3A_93] : memref<1x256xf32, #tpu.memory_space<vmem>>, vector<1x256xf32>
      tpu.vector_store %arg14[%swap3A_92, %swap3A_93], %sub3A_91 {strides = array<i32>} : memref<1x256xf32, #tpu.memory_space<vmem>>, vector<1x256xf32>,
    } else {
    }
    %get3A = arith.constant 0 : index
    %get3A_2 = arith.constant 0 : index
    %get3A_3 = vector.load %arg13[%get3A, %get3A_2] : memref<1x256xf32, #tpu.memory_space<vmem>>, vector<1x256xf32>
    %ge3A = arith.constant 0.000000e+00 : f32
    %ge3A_4 = vector.broadcast %ge3A : f32 to vector<1x256xf32>
    %ge3A_5 = arith.cmpf oge, %get3A_3, %ge3A_4 : vector<1x256xf32>
    %get3A_6 = arith.constant 0 : index
    %get3A_7 = arith.constant 0 : index
    %get3A_8 = arith.constant 0 : index
    %get3A_9 = vector.load %arg4[%get3A_6, %get3A_7, %get3A_8] : memref<1x1024x256xf32, #tpu.memory_space<vmem>>, vector<1x1024x256xf32>
    %get3A_10 = vector.shape_cast %get3A_9 : vector<1x1024x256xf32> to vector<1024x256xf32>
    %get3A_11 = arith.constant 0 : index
    %get3A_12 = arith.constant 0 : index
    %get3A_13 = arith.constant 0 : index
    %get3A_14 = vector.load %arg5[%get3A_11, %get3A_12, %get3A_13] : memref<1x1024x256xf32, #tpu.memory_space<vmem>>, vector<1x1024x256xf32>
    %get3A_15 = vector.shape_cast %get3A_14 : vector<1x1024x256xf32> to vector<1024x256xf32>
    %broadcast_in_dim3A = vector.shape_cast %ge3A_5 : vector<1x256xi1> to vector<1x256xi1>
    %broadcast_in_dim3A_16 = vector.broadcast %broadcast_in_dim3A : vector<1x256xi1> to vector<1024x256xi1>
    %select_n3A = arith.select %broadcast_in_dim3A_16, %get3A_10, %get3A_15 : vector<1024x256xi1>, vector<1024x256xf32>
    %mul3A = vector.broadcast %get3A_3 : vector<1x256xf32> to vector<1024x256xf32>
    %mul3A_17 = arith.mulf %select_n3A, %mul3A : vector<1024x256xf32>
    %get3A_18 = arith.constant 0 : index
    %get3A_19 = arith.constant 0 : index
    %get3A_20 = vector.load %arg14[%get3A_18, %get3A_19] : memref<1x256xf32, #tpu.memory_space<vmem>>, vector<1x256xf32>
    %add3A = vector.broadcast %get3A_20 : vector<1x256xf32> to vector<1024x256xf32>
    %add3A_21 = arith.addf %mul3A_17, %add3A : vector<1024x256xf32>
    %max3A = arith.constant 0.000000e+00 : f32
    %max3A_22 = vector.broadcast %max3A : f32 to vector<1024x256xf32>
    %max3A_23 = arith.maximumf %add3A_21, %max3A_22 : vector<1024x256xf32>
    %get3A_24 = arith.constant 0 : index
    %get3A_25 = arith.constant 0 : index
    %get3A_26 = arith.constant 0 : index
    %get3A_27 = vector.load %arg1[%get3A_24, %get3A_25, %get3A_26] : memref<1x1024x64xf32, #tpu.memory_space<vmem>>, vector<1x1024x64xf32>
    %get3A_28 = vector.shape_cast %get3A_27 : vector<1x1024x64xf32> to vector<1024x64xf32>
    %get3A_29 = arith.constant 0 : index
    %get3A_30 = arith.constant 0 : index
    %get3A_31 = arith.constant 0 : index
    %get3A_32 = vector.load %arg2[%get3A_29, %get3A_30, %get3A_31] : memref<1x1024x64xf32, #tpu.memory_space<vmem>>, vector<1x1024x64xf32>
    %get3A_33 = vector.shape_cast %get3A_32 : vector<1x1024x64xf32> to vector<1024x64xf32>
    %get3A_34 = arith.constant 0 : index
    %get3A_35 = arith.constant 0 : index
    %get3A_36 = arith.constant 0 : index
    %get3A_37 = vector.load %arg3[%get3A_34, %get3A_35, %get3A_36] : memref<1x1024x128xf32, #tpu.memory_space<vmem>>, vector<1x1024x128xf32>
    %get3A_38 = vector.shape_cast %get3A_37 : vector<1x1024x128xf32> to vector<1024x128xf32>
    %concatenate3A = tpu.concatenate %get3A_28, %get3A_33, %get3A_38, %max3A_23 in 1 : vector<1024x64xf32>, vector<1024x64xf32>, vector<1024x128xf32>, vector<1024x256xf32> -> vector<1024x512xf32>
    %swap3A = arith.constant 0 : index
    %swap3A_39 = arith.constant 0 : index
    %swap3A_40 = arith.constant 0 : index
    %swap3A_41 = vector.load %arg10[%swap3A, %swap3A_39, %swap3A_40] : memref<1x1024x512xf32, #tpu.memory_space<vmem>>, vector<1x1024x512xf32>
    %swap3A_42 = vector.shape_cast %swap3A_41 : vector<1x1024x512xf32> to vector<1024x512xf32>
    %swap3A_43 = vector.shape_cast %concatenate3A : vector<1024x512xf32> to vector<1x1024x512xf32>
    tpu.vector_store %arg10[%swap3A, %swap3A_39, %swap3A_40], %swap3A_43 {strides = array<i32>} : memref<1x1024x512xf32, #tpu.memory_space<vmem>>, vector<1x1024x512xf32>,
    %dot_general3A = arith.constant dense<0.000000e+00> : vector<512x512xf32>
    %dot_general3A_44 = tpu.matmul %concatenate3A, %concatenate3A, %dot_general3A {dimension_numbers = #tpu.dot_dimension_numbers<[0], [0], [1], [1], [0, 1, 1, 1], [], []>, transpose_lhs_hint = false} : vector<1024x512xf32>, vector<1024x512xf32>, vector<512x512xf32> -> vector<512x512xf32>
    %swap3A_45 = arith.constant 0 : index
    %swap3A_46 = arith.constant 0 : index
    %swap3A_47 = arith.constant 0 : index
    %swap3A_48 = vector.load %arg11[%swap3A_45, %swap3A_46, %swap3A_47] : memref<1x512x512xf32, #tpu.memory_space<vmem>>, vector<1x512x512xf32>
    %swap3A_49 = vector.shape_cast %swap3A_48 : vector<1x512x512xf32> to vector<512x512xf32>
    %swap3A_50 = vector.shape_cast %dot_general3A_44 : vector<512x512xf32> to vector<1x512x512xf32>
    tpu.vector_store %arg11[%swap3A_45, %swap3A_46, %swap3A_47], %swap3A_50 {strides = array<i32>} : memref<1x512x512xf32, #tpu.memory_space<vmem>>, vector<1x512x512xf32>,
    %reduce_sum3A = arith.constant dense<0.000000e+00> : vector<512xf32>
    %reduce_sum3A_51 = vector.multi_reduction <add>, %concatenate3A, %reduce_sum3A [0] : vector<1024x512xf32> to vector<512xf32>
    %broadcast_in_dim3A_52 = vector.shape_cast %reduce_sum3A_51 : vector<512xf32> to vector<1x512xf32>
    %swap3A_53 = arith.constant 0 : index
    %swap3A_54 = arith.constant 0 : index
    %swap3A_55 = arith.constant 0 : index
    %swap3A_56 = vector.load %arg12[%swap3A_53, %swap3A_54, %swap3A_55] : memref<1x1x512xf32, #tpu.memory_space<vmem>>, vector<1x1x512xf32>
    %swap3A_57 = vector.shape_cast %swap3A_56 : vector<1x1x512xf32> to vector<1x512xf32>
    %swap3A_58 = vector.shape_cast %broadcast_in_dim3A_52 : vector<1x512xf32> to vector<1x1x512xf32>
    tpu.vector_store %arg12[%swap3A_53, %swap3A_54, %swap3A_55], %swap3A_58 {strides = array<i32>} : memref<1x1x512xf32, #tpu.memory_space<vmem>>, vector<1x1x512xf32>,
    return
  }
  func.func @transform_0(%arg0: i32) -> (i32, i32, i32) {
    %c0_i32 = arith.constant 0 : i32
    %c0_i32_0 = arith.constant 0 : i32
    %c0_i32_1 = arith.constant 0 : i32
    return %arg0, %c0_i32, %c0_i32_0 : i32, i32, i32
  }
  func.func @transform_1(%arg0: i32) -> (i32, i32, i32) {
    %c0_i32 = arith.constant 0 : i32
    %c0_i32_0 = arith.constant 0 : i32
    %c0_i32_1 = arith.constant 0 : i32
    return %arg0, %c0_i32, %c0_i32_0 : i32, i32, i32
  }
  func.func @transform_2(%arg0: i32) -> (i32, i32, i32) {
    %c0_i32 = arith.constant 0 : i32
    %c0_i32_0 = arith.constant 0 : i32
    %c0_i32_1 = arith.constant 0 : i32
    return %arg0, %c0_i32, %c0_i32_0 : i32, i32, i32
  }
  func.func @transform_3(%arg0: i32) -> (i32, i32, i32) {
    %c0_i32 = arith.constant 0 : i32
    %c0_i32_0 = arith.constant 0 : i32
    %c0_i32_1 = arith.constant 0 : i32
    return %arg0, %c0_i32, %c0_i32_0 : i32, i32, i32
  }
  func.func @transform_4(%arg0: i32) -> (i32, i32, i32) {
    %c0_i32 = arith.constant 0 : i32
    %c0_i32_0 = arith.constant 0 : i32
    %c0_i32_1 = arith.constant 0 : i32
    return %arg0, %c0_i32, %c0_i32_0 : i32, i32, i32
  }
  func.func @transform_5(%arg0: i32) -> (i32, i32, i32) {
    %c0_i32 = arith.constant 0 : i32
    %c0_i32_0 = arith.constant 0 : i32
    %c0_i32_1 = arith.constant 0 : i32
    %c0_i32_2 = arith.constant 0 : i32
    return %c0_i32, %c0_i32_0, %c0_i32_1 : i32, i32, i32
  }
  func.func @transform_6(%arg0: i32) -> (i32, i32, i32) {
    %c0_i32 = arith.constant 0 : i32
    %c0_i32_0 = arith.constant 0 : i32
    %c0_i32_1 = arith.constant 0 : i32
    %c0_i32_2 = arith.constant 0 : i32
    return %c0_i32, %c0_i32_0, %c0_i32_1 : i32, i32, i32
  }
  func.func @transform_7(%arg0: i32) -> (i32, i32) {
    %c0_i32 = arith.constant 0 : i32
    %c0_i32_0 = arith.constant 0 : i32
    %c0_i32_1 = arith.constant 0 : i32
    return %c0_i32, %c0_i32_0 : i32, i32
  }
  func.func @transform_8(%arg0: i32) -> (i32, i32) {
    %c0_i32 = arith.constant 0 : i32
    %c0_i32_0 = arith.constant 0 : i32
    %c0_i32_1 = arith.constant 0 : i32
    return %c0_i32, %c0_i32_0 : i32, i32
  }
  func.func @transform_9(%arg0: i32) -> (i32, i32, i32) {
    %c0_i32 = arith.constant 0 : i32
    %c0_i32_0 = arith.constant 0 : i32
    %c0_i32_1 = arith.constant 0 : i32
    return %arg0, %c0_i32, %c0_i32_0 : i32, i32, i32
  }
  func.func @transform_10(%arg0: i32) -> (i32, i32, i32) {
    %c0_i32 = arith.constant 0 : i32
    %c0_i32_0 = arith.constant 0 : i32
    %c0_i32_1 = arith.constant 0 : i32
    return %arg0, %c0_i32, %c0_i32_0 : i32, i32, i32
  }
  func.func @transform_11(%arg0: i32) -> (i32, i32, i32) {
    %c0_i32 = arith.constant 0 : i32
    %c0_i32_0 = arith.constant 0 : i32
    %c0_i32_1 = arith.constant 0 : i32
    return %arg0, %c0_i32, %c0_i32_0 : i32, i32, i32
  }
}

module attributes {stable_mosaic.version = 14 : i64} {
  func.func @_stage_g_body(%arg0: i32, %arg1: memref<1x1024x512xf32, #tpu.memory_space<vmem>>, %arg2: memref<8x512x512xf32, #tpu.memory_space<vmem>>, %arg3: memref<8x1x512xf32, #tpu.memory_space<vmem>>, %arg4: memref<1024x512xf32, #tpu.memory_space<vmem>>, %arg5: memref<1024x1xf32, #tpu.memory_space<vmem>>, %arg6: memref<1024x1xf32, #tpu.memory_space<vmem>>, %arg7: memref<1x1024x1024xf32, #tpu.memory_space<vmem>>, %arg8: memref<1024x1xf32, #tpu.memory_space<vmem>>, %arg9: memref<1024x1xf32, #tpu.memory_space<vmem>>) attributes {dimension_semantics = [#tpu.dimension_semantics<arbitrary>], iteration_bounds = array<i64: 8>, scalar_prefetch = 0 : i64, scratch_operands = 2 : i64, tpu.core_type = #tpu.core_type<tc>, window_params = [{transform_indices = @transform_0, window_bounds = array<i64: 1, 1024, 512>}, {pipeline_mode = #tpu.pipeline_mode<synchronous>, transform_indices = @transform_1, window_bounds = array<i64: 8, 512, 512>}, {pipeline_mode = #tpu.pipeline_mode<synchronous>, transform_indices = @transform_2, window_bounds = array<i64: 8, 1, 512>}, {pipeline_mode = #tpu.pipeline_mode<synchronous>, transform_indices = @transform_3, window_bounds = array<i64: 1024, 512>}, {pipeline_mode = #tpu.pipeline_mode<synchronous>, transform_indices = @transform_4, window_bounds = array<i64: 1024, 1>}, {pipeline_mode = #tpu.pipeline_mode<synchronous>, transform_indices = @transform_5, window_bounds = array<i64: 1024, 1>}, {transform_indices = @transform_6, window_bounds = array<i64: 1, 1024, 1024>}]} {
    %eq3A = arith.constant 0 : i32
    %eq3A_0 = arith.cmpi eq, %arg0, %eq3A : i32
    %convert_element_type3A = arith.extui %eq3A_0 : i1 to i32
    %cond3A = arith.constant 0 : i32
    %cond3A_1 = arith.cmpi ne, %convert_element_type3A, %cond3A : i32
    scf.if %cond3A_1 {
      %get3A_25 = arith.constant 0 : index
      %get3A_26 = arith.constant 0 : index
      %get3A_27 = arith.constant 0 : index
      %get3A_28 = vector.load %arg2[%get3A_25, %get3A_26, %get3A_27] : memref<8x512x512xf32, #tpu.memory_space<vmem>>, vector<8x512x512xf32>
      %reduce_sum3A = arith.constant dense<0.000000e+00> : vector<512x512xf32>
      %reduce_sum3A_29 = vector.multi_reduction <add>, %get3A_28, %reduce_sum3A [0] : vector<8x512x512xf32> to vector<512x512xf32>
      %div3A = arith.constant 8.192000e+03 : f32
      %div3A_30 = vector.broadcast %div3A : f32 to vector<512x512xf32>
      %div3A_31 = arith.divf %reduce_sum3A_29, %div3A_30 : vector<512x512xf32>
      %get3A_32 = arith.constant 0 : index
      %get3A_33 = arith.constant 0 : index
      %get3A_34 = arith.constant 0 : index
      %get3A_35 = vector.load %arg3[%get3A_32, %get3A_33, %get3A_34] : memref<8x1x512xf32, #tpu.memory_space<vmem>>, vector<8x1x512xf32>
      %reduce_sum3A_36 = arith.constant dense<0.000000e+00> : vector<1x512xf32>
      %reduce_sum3A_37 = vector.multi_reduction <add>, %get3A_35, %reduce_sum3A_36 [0] : vector<8x1x512xf32> to vector<1x512xf32>
      %div3A_38 = arith.constant 8.192000e+03 : f32
      %div3A_39 = vector.broadcast %div3A_38 : f32 to vector<1x512xf32>
      %div3A_40 = arith.divf %reduce_sum3A_37, %div3A_39 : vector<1x512xf32>
      %get3A_41 = arith.constant 0 : index
      %get3A_42 = arith.constant 0 : index
      %get3A_43 = vector.load %arg4[%get3A_41, %get3A_42] : memref<1024x512xf32, #tpu.memory_space<vmem>>, vector<1024x512xf32>
      %dot_general3A_44 = arith.constant dense<0.000000e+00> : vector<1024x512xf32>
      %dot_general3A_45 = tpu.matmul %get3A_43, %div3A_31, %dot_general3A_44 {dimension_numbers = #tpu.dot_dimension_numbers<[1], [0], [0], [1], [0, 0, 1, 1], [], []>, transpose_lhs_hint = false} : vector<1024x512xf32>, vector<512x512xf32>, vector<1024x512xf32> -> vector<1024x512xf32>
      %mul3A_46 = arith.mulf %dot_general3A_45, %get3A_43 : vector<1024x512xf32>
      %reduce_sum3A_47 = arith.constant dense<0.000000e+00> : vector<1024xf32>
      %reduce_sum3A_48 = vector.multi_reduction <add>, %mul3A_46, %reduce_sum3A_47 [1] : vector<1024x512xf32> to vector<1024xf32>
      %broadcast_in_dim3A = vector.shape_cast %reduce_sum3A_48 : vector<1024xf32> to vector<1024x1xf32>
      %dot_general3A_49 = arith.constant dense<0.000000e+00> : vector<1024x1xf32>
      %dot_general3A_50 = tpu.matmul %get3A_43, %div3A_40, %dot_general3A_49 {dimension_numbers = #tpu.dot_dimension_numbers<[1], [1], [0], [0], [0, 0, 1, 0], [], []>, transpose_lhs_hint = false} : vector<1024x512xf32>, vector<1x512xf32>, vector<1024x1xf32> -> vector<1024x1xf32>
      %mul3A_51 = arith.mulf %dot_general3A_50, %dot_general3A_50 : vector<1024x1xf32>
      %sub3A = arith.subf %broadcast_in_dim3A, %mul3A_51 : vector<1024x1xf32>
      %get3A_52 = arith.constant 0 : index
      %get3A_53 = arith.constant 0 : index
      %get3A_54 = vector.load %arg5[%get3A_52, %get3A_53] : memref<1024x1xf32, #tpu.memory_space<vmem>>, vector<1024x1xf32>
      %add3A_55 = arith.constant 9.99999974E-6 : f32
      %add3A_56 = vector.broadcast %add3A_55 : f32 to vector<1024x1xf32>
      %add3A_57 = arith.addf %sub3A, %add3A_56 : vector<1024x1xf32>
      %rsqrt3A = math.rsqrt %add3A_57 : vector<1024x1xf32>
      %mul3A_58 = arith.mulf %get3A_54, %rsqrt3A : vector<1024x1xf32>
      %swap3A_59 = arith.constant 0 : index
      %swap3A_60 = arith.constant 0 : index
      %swap3A_61 = vector.load %arg8[%swap3A_59, %swap3A_60] : memref<1024x1xf32, #tpu.memory_space<vmem>>, vector<1024x1xf32>
      tpu.vector_store %arg8[%swap3A_59, %swap3A_60], %mul3A_58 {strides = array<i32>} : memref<1024x1xf32, #tpu.memory_space<vmem>>, vector<1024x1xf32>,
      %get3A_62 = arith.constant 0 : index
      %get3A_63 = arith.constant 0 : index
      %get3A_64 = vector.load %arg6[%get3A_62, %get3A_63] : memref<1024x1xf32, #tpu.memory_space<vmem>>, vector<1024x1xf32>
      %mul3A_65 = arith.mulf %dot_general3A_50, %mul3A_58 : vector<1024x1xf32>
      %sub3A_66 = arith.subf %get3A_64, %mul3A_65 : vector<1024x1xf32>
      %swap3A_67 = arith.constant 0 : index
      %swap3A_68 = arith.constant 0 : index
      %swap3A_69 = vector.load %arg9[%swap3A_67, %swap3A_68] : memref<1024x1xf32, #tpu.memory_space<vmem>>, vector<1024x1xf32>
      tpu.vector_store %arg9[%swap3A_67, %swap3A_68], %sub3A_66 {strides = array<i32>} : memref<1024x1xf32, #tpu.memory_space<vmem>>, vector<1024x1xf32>,
    } else {
    }
    %get3A = arith.constant 0 : index
    %get3A_2 = arith.constant 0 : index
    %get3A_3 = vector.load %arg4[%get3A, %get3A_2] : memref<1024x512xf32, #tpu.memory_space<vmem>>, vector<1024x512xf32>
    %get3A_4 = arith.constant 0 : index
    %get3A_5 = arith.constant 0 : index
    %get3A_6 = arith.constant 0 : index
    %get3A_7 = vector.load %arg1[%get3A_4, %get3A_5, %get3A_6] : memref<1x1024x512xf32, #tpu.memory_space<vmem>>, vector<1x1024x512xf32>
    %get3A_8 = vector.shape_cast %get3A_7 : vector<1x1024x512xf32> to vector<1024x512xf32>
    %dot_general3A = arith.constant dense<0.000000e+00> : vector<1024x1024xf32>
    %dot_general3A_9 = tpu.matmul %get3A_3, %get3A_8, %dot_general3A {dimension_numbers = #tpu.dot_dimension_numbers<[1], [1], [0], [0], [0, 0, 1, 0], [], []>, transpose_lhs_hint = false} : vector<1024x512xf32>, vector<1024x512xf32>, vector<1024x1024xf32> -> vector<1024x1024xf32>
    %get3A_10 = arith.constant 0 : index
    %get3A_11 = arith.constant 0 : index
    %get3A_12 = vector.load %arg8[%get3A_10, %get3A_11] : memref<1024x1xf32, #tpu.memory_space<vmem>>, vector<1024x1xf32>
    %mul3A = vector.broadcast %get3A_12 : vector<1024x1xf32> to vector<1024x1024xf32>
    %mul3A_13 = arith.mulf %dot_general3A_9, %mul3A : vector<1024x1024xf32>
    %get3A_14 = arith.constant 0 : index
    %get3A_15 = arith.constant 0 : index
    %get3A_16 = vector.load %arg9[%get3A_14, %get3A_15] : memref<1024x1xf32, #tpu.memory_space<vmem>>, vector<1024x1xf32>
    %add3A = vector.broadcast %get3A_16 : vector<1024x1xf32> to vector<1024x1024xf32>
    %add3A_17 = arith.addf %mul3A_13, %add3A : vector<1024x1024xf32>
    %max3A = arith.constant 0.000000e+00 : f32
    %max3A_18 = vector.broadcast %max3A : f32 to vector<1024x1024xf32>
    %max3A_19 = arith.maximumf %add3A_17, %max3A_18 : vector<1024x1024xf32>
    %swap3A = arith.constant 0 : index
    %swap3A_20 = arith.constant 0 : index
    %swap3A_21 = arith.constant 0 : index
    %swap3A_22 = vector.load %arg7[%swap3A, %swap3A_20, %swap3A_21] : memref<1x1024x1024xf32, #tpu.memory_space<vmem>>, vector<1x1024x1024xf32>
    %swap3A_23 = vector.shape_cast %swap3A_22 : vector<1x1024x1024xf32> to vector<1024x1024xf32>
    %swap3A_24 = vector.shape_cast %max3A_19 : vector<1024x1024xf32> to vector<1x1024x1024xf32>
    tpu.vector_store %arg7[%swap3A, %swap3A_20, %swap3A_21], %swap3A_24 {strides = array<i32>} : memref<1x1024x1024xf32, #tpu.memory_space<vmem>>, vector<1x1024x1024xf32>,
    return
  }
  func.func @transform_0(%arg0: i32) -> (i32, i32, i32) {
    %c0_i32 = arith.constant 0 : i32
    %c0_i32_0 = arith.constant 0 : i32
    %c0_i32_1 = arith.constant 0 : i32
    return %arg0, %c0_i32, %c0_i32_0 : i32, i32, i32
  }
  func.func @transform_1(%arg0: i32) -> (i32, i32, i32) {
    %c0_i32 = arith.constant 0 : i32
    %c0_i32_0 = arith.constant 0 : i32
    %c0_i32_1 = arith.constant 0 : i32
    %c0_i32_2 = arith.constant 0 : i32
    return %c0_i32, %c0_i32_0, %c0_i32_1 : i32, i32, i32
  }
  func.func @transform_2(%arg0: i32) -> (i32, i32, i32) {
    %c0_i32 = arith.constant 0 : i32
    %c0_i32_0 = arith.constant 0 : i32
    %c0_i32_1 = arith.constant 0 : i32
    %c0_i32_2 = arith.constant 0 : i32
    return %c0_i32, %c0_i32_0, %c0_i32_1 : i32, i32, i32
  }
  func.func @transform_3(%arg0: i32) -> (i32, i32) {
    %c0_i32 = arith.constant 0 : i32
    %c0_i32_0 = arith.constant 0 : i32
    %c0_i32_1 = arith.constant 0 : i32
    return %c0_i32, %c0_i32_0 : i32, i32
  }
  func.func @transform_4(%arg0: i32) -> (i32, i32) {
    %c0_i32 = arith.constant 0 : i32
    %c0_i32_0 = arith.constant 0 : i32
    %c0_i32_1 = arith.constant 0 : i32
    return %c0_i32, %c0_i32_0 : i32, i32
  }
  func.func @transform_5(%arg0: i32) -> (i32, i32) {
    %c0_i32 = arith.constant 0 : i32
    %c0_i32_0 = arith.constant 0 : i32
    %c0_i32_1 = arith.constant 0 : i32
    return %c0_i32, %c0_i32_0 : i32, i32
  }
  func.func @transform_6(%arg0: i32) -> (i32, i32, i32) {
    %c0_i32 = arith.constant 0 : i32
    %c0_i32_0 = arith.constant 0 : i32
    %c0_i32_1 = arith.constant 0 : i32
    return %arg0, %c0_i32, %c0_i32_0 : i32, i32, i32
  }
}

</mosaic_0001>

<sc_bundles>
// kernel: kernel.9.cloned.1.call-start
scs
__scs_entry_jumppad:
0x0: {  	(pc) =	sbr.rel $0x88, $3  }
0x1: {  	(tag) =	ssettag $0x0;
	lr =	simm.s32 $0x1  }
0x2: {  	[smem:$0x3F91] =	sst lr;
	_ =	strace $0xD0000000  }
0x3: {  	_ = 	snop  }
0x4: {  	_ = 	snop  }
0x5: {  	_ = 	snop  }
0x6: {  	_ = 	snop  }
0x7: {  	_ = 	snop  }
__scs_overlays_trampoline_lowered:
0x8: {  	[smem:$0x3FA0] =	sst s0  }
0x9: {  	[smem:$0x3FA1] =	sst s1  }
0xa: {  	[smem:$0x3FA2] =	sst s2  }
0xb: {  	[smem:$0x3FA3] =	sst s3  }
0xc: {  	[smem:$0x3FA4] =	sst s4  }
0xd: {  	[smem:$0x3FA5] =	sst s5  }
0xe: {  	[smem:$0x3FA6] =	sst s6  }
0xf: {  	[smem:$0x3FA7] =	sst s7  }
0x10: {  	[smem:$0x3FA8] =	sst s8  }
0x11: {  	[smem:$0x3FA9] =	sst s9;
	s0 =	simm.s32 @!p0 $0x0  }
0x12: {  	s1 =	sld [smem:$0x3F8F];
	s0 =	simm.s32 @p0 $0x1  }
0x13: {  	[smem:$0x3FAA] =	sst s0;
	s0 =	simm.s32 @!p1 $0x0  }
0x14: {  	s2 =	sld [smem:$0x3F8E];
	s0 =	simm.s32 @p1 $0x1  }
0x15: {  	[smem:$0x3FAB] =	sst s0;
	s0 =	simm.s32 @!p2 $0x0  }
0x16: {  	s3 =	sld [smem:$0x3FDB];
	s0 =	simm.s32 @p2 $0x1  }
0x17: {  	s4 =	simm.s32 $0x1BF5;
	[smem:$0x3FAD] =	sst s0  }
0x18: {  	s0 =	sld [smem:$0x3F90];
	_ =	swait.ge [sflag:s4], $0x0  }
0x19: {  	s7 =	sld [smem:$0x3F91]  }
0x1a: {  	s8 =	sadd.s32 $0xFFFFE003, lr  }
0x1b: {  	s9 =	sadd.s32 $0xFFFFFEF7, lr;
	s5 =	simm.s32 $0xFFFFFFFF;
	p2 =	slt.u32 s8, $0xFFFFF086  }
0x1c: {  	p1 =	slt.u32 s9, $0xF7A;
	s5 =	simm.s32 @!p2 $0x0  }
0x1d: {  	s5 =	simm.s32 @p1 $0x1;
	p0 =	seq.s32 s7, s2  }
0x1e: {  	s7 =	smul.u32 @!p0 $0xF7A, s2;
	p2 =	seq.s32 @!p0 s5, $0x0  }
0x1f: {  	s9 =	smul.u32 $0xF7A, s1;
	s8 =	simm.s32 @!p0 $0x1BF5;
	p2 =	por !p2, p0  }
0x20: {  	[sflag:s8] =	ssyncset.s32 @!p0 $0xFFFFF086;
	s6 =	sadd.s32 @!p0 s3, s7;
	s7 =	simm.s32 @!p0 $0x108  }
0x21: {  	s3 =	sadd.s32 s3, s9;
	s6 =	sadd.s32 @!p0 $0x88, s6;
	s7 =	simm.s32 @p2 $0x1082  }
0x22: {  	[simem:s7], [sflag:s8] =	dma.local @!p0 [hbm:s6], $0xF7A  }
0x23: {  	s9 =	sor.u32 $0xD0000000, s2;
	s6 =	simm.s32 $0x108;
	_ =	swait.ge @!p0 [sflag:s8], $0x0  }
0x24: {  	s3 =	sadd.s32 $0x88, s3;
	s6 =	simm.s32 @!p1 $0x1082;
	[sflag:s4] =	ssyncset.s32 $0xFFFFF086  }
0x25: {  	[simem:s6], [sflag:s4] =	dma.local [hbm:s3], $0xF7A  }
0x26: {  	[smem:$0x3F91] =	sst s1;
	(tag) =	ssettag s2;
	_ =	strace s9  }
0x27: {  	s1 =	sld [smem:$0x3FA1]  }
0x28: {  	s2 =	sld [smem:$0x3FA2]  }
0x29: {  	s4 =	sld [smem:$0x3FA4]  }
0x2a: {  	p0 =	seq.s32 s5, $0x0;
	s5 =	sld [smem:$0x3FA5]  }
0x2b: {  	s6 =	sld [smem:$0x3FA6]  }
0x2c: {  	s7 =	sld [smem:$0x3FA7]  }
0x2d: {  	s3 =	simm.s32 $0x108;
	s8 =	sld [smem:$0x3FA8]  }
0x2e: {  	s3 =	simm.s32 @!p0 $0x1082;
	s9 =	sld [smem:$0x3FA9]  }
0x2f: {  	lr =	sadd.s32 s0, s3;
	s0 =	sld [smem:$0x3FA0]  }
0x30: {  	s3 =	sld [smem:$0x3FA3]  }
0x31: {  	[smem:$0x3FAC] =	sst s10  }
0x32: {  	s10 =	sld [smem:$0x3FAA];
	_ =	sdelay $0x3  }
0x33: {  	p0 =	seq.s32 s10, $0x1;
	s10 =	sld [smem:$0x3FAC];
	_ =	sdelay $0x3  }
0x34: {  	[smem:$0x3FAC] =	sst s10  }
0x35: {  	s10 =	sld [smem:$0x3FAB];
	_ =	sdelay $0x3  }
0x36: {  	p1 =	seq.s32 s10, $0x1;
	s10 =	sld [smem:$0x3FAC];
	_ =	sdelay $0x3  }
0x37: {  	[smem:$0x3FAC] =	sst s10  }
0x38: {  	s10 =	sld [smem:$0x3FAD]  }
0x39: {  	_ = 	snop;
	(pc) =	sbr.ind lr, $3  }
0x3a: {  	_ = 	snop  }
0x3b: {  	_ = 	snop  }
0x3c: {  	p2 =	seq.s32 s10, $0x1;
	s10 =	sld [smem:$0x3FAC]  }
0x3d: {  	_ =	shalt  }
0x3e: {  	_ =	shalt  }
0x3f: {  	_ =	shalt  }
0x40: {  	_ =	shalt  }
0x41: {  	_ =	shalt  }
0x42: {  	_ =	shalt  }
0x43: {  	_ =	shalt  }
0x44: {  	_ =	shalt  }
0x45: {  	_ =	shalt  }
0x46: {  	_ =	shalt  }
0x47: {  	_ =	shalt  }
0x48: {  	_ =	shalt  }
0x49: {  	_ =	shalt  }
0x4a: {  	_ =	shalt  }
0x4b: {  	_ =	shalt  }
0x4c: {  	_ =	shalt  }
0x4d: {  	_ =	shalt  }
0x4e: {  	_ =	shalt  }
0x4f: {  	_ =	shalt  }
0x50: {  	_ =	shalt  }
0x51: {  	_ =	shalt  }
0x52: {  	_ =	shalt  }
0x53: {  	_ =	shalt  }
0x54: {  	_ =	shalt  }
0x55: {  	_ =	shalt  }
0x56: {  	_ =	shalt  }
0x57: {  	_ =	shalt  }
0x58: {  	_ =	shalt  }
0x59: {  	_ =	shalt  }
0x5a: {  	_ =	shalt  }
0x5b: {  	_ =	shalt  }
0x5c: {  	_ =	shalt  }
0x5d: {  	_ =	shalt  }
0x5e: {  	_ =	shalt  }
0x5f: {  	_ =	shalt  }
0x60: {  	_ =	shalt  }
0x61: {  	_ =	shalt  }
0x62: {  	_ =	shalt  }
0x63: {  	_ =	shalt  }
0x64: {  	_ =	shalt  }
0x65: {  	_ =	shalt  }
0x66: {  	_ =	shalt  }
0x67: {  	_ =	shalt  }
0x68: {  	_ =	shalt  }
0x69: {  	_ =	shalt  }
0x6a: {  	_ =	shalt  }
0x6b: {  	_ =	shalt  }
0x6c: {  	_ =	shalt  }
0x6d: {  	_ =	shalt  }
0x6e: {  	_ =	shalt  }
0x6f: {  	_ =	shalt  }
0x70: {  	_ =	shalt  }
0x71: {  	_ =	shalt  }
0x72: {  	_ =	shalt  }
0x73: {  	_ =	shalt  }
0x74: {  	_ =	shalt  }
0x75: {  	_ =	shalt  }
0x76: {  	_ =	shalt  }
0x77: {  	_ =	shalt  }
0x78: {  	_ =	shalt  }
0x79: {  	_ =	shalt  }
0x7a: {  	_ =	shalt  }
0x7b: {  	_ =	shalt  }
0x7c: {  	_ =	shalt  }
0x7d: {  	_ =	shalt  }
0x7e: {  	_ =	shalt  }
0x7f: {  	_ =	shalt  }
0x80: {  	_ =	shalt  }
0x81: {  	_ =	shalt  }
0x82: {  	_ =	shalt  }
0x83: {  	_ =	shalt  }
0x84: {  	_ =	shalt  }
0x85: {  	_ =	shalt  }
0x86: {  	_ =	shalt  }
0x87: {  	_ =	shalt  }
.Lfunc_end0:
.L_simem_size_0:
called_computation_lowered:
.L_overlay_start_0:
0x88: {  	s2 =	sld [smem:$0x3FD9]  }
0x89: {  	s3 =	sld [smem:$0x3FFE];
	_ =	sdelay $0x1  }
0x8a: {  	s1 =	srdreg.scid  }
0x8b: {  	s0 =	sand.u32 $0x1, s1  }
0x8c: {  	s17 =	sshll.u32 s0, $0xA;
	s2 =	sadd.s32 s3, s2  }
0x8d: {  	s2 =	sadd.s32 s2, s17  }
0x8e: {  	[smem:$0x3FB8] =	sst s2  }
0x8f: {  	_ = 	snop  }
0x90: {  	s2 =	sld [smem:$0x3FD0];
	(tm) =	ssettm $0x1  }
0x91: {  	s18 =	sld [smem:$0x3FFB];
	_ =	sdelay $0x3  }
0x92: {  	_ =	strace s18  }
0x93: {  	s3 =	sld [smem:$0x3FFC];
	_ =	sdelay $0x3  }
0x94: {  	_ =	strace s3  }
0x95: {  	s3 =	sld [smem:$0x3FFD];
	_ =	sdelay $0x3  }
0x96: {  	_ =	strace s3  }
0x97: {  	_ =	strace $0x8FFFFFFF  }
0x98: {  	s19 =	sld [smem:$0x3FDB];
	_ =	sdelay $0x1  }
0x99: {  	s4 =	simm.s32 $_scs_section_size  }
0x9a: {  	s5 =	simm.s32 $_size__tile_overlayer_lowered;
	s6 =	simm.s32 $_tile_overlayer_lowered  }
0x9b: {  	s22 =	simm.s32 $0x1BFF;
	s21 =	sshll.u32 s6, $0x1;
	s3 =	sadd.s32 s4, s19  }
0x9c: {  	s7 =	simm.s32 $0x0;
	s20 =	sshll.u32 s5, $0x1;
	s5 =	sadd.s32 s21, s3  }
0x9d: {  	[timem:s7], [sflag:s22] =	dma.local [hbm:s5], s20  }
0x9e: {  	_ =	swait.ge [sflag:s22], s20  }
0x9f: {  	s4 =	ssub.s32 $0x0, s20;
	[sflag:s22] =	ssyncset.done $0x0  }
0xa0: {  	[sflag:s22] =	ssyncadd.s32 s4;
	_ =	sdelay $0x1  }
0xa1: {  	s23 =	simm.s32 $0x1B8B  }
0xa2: {  	_ =	swait.ge [sflag:s23], $0x1  }
0xa3: {  	[sflag:s23] =	ssyncset.done $0x0  }
0xa4: {  	s25 =	simm.s32 $0x1B8E;
	s24 =	sld [smem:$0x3FFE];
	[sflag:s23] =	ssyncadd.s32 $0xFFFFFFFF  }
0xa5: {  	s26 =	simm.s32 $execute0_lowered;
	[smem:$0x3FD2] =	sst s25  }
0xa6: {  	s5 =	sshll.u32 s26, $0x1;
	_ =	strace $0x80000046;
	[dreg:$0x1] =	wrdreg $0xFFFFFFFF  }
0xa7: {  	s28 =	simm.s32 $_size_execute0_lowered;
	s3 =	sadd.s32 s3, s5;
	[dreg:$0x0] =	wrdreg $0x0  }
0xa8: {  	s5 =	sshll.u32 s28, $0x1;
	[dreg:$0x2] =	wrdreg s3  }
0xa9: {  	[dreg:$0x3] =	wrdreg s5  }
0xaa: {  	[dreg:$0x4] =	wrdreg $0xC0  }
0xab: {  	_ =	task [dreg:s7], $0x5FFFF  }
0xac: {  	[dreg:$0x1] =	wrdreg $0xFFFFFFFF  }
0xad: {  	[dreg:$0x0] =	wrdreg $0x60  }
0xae: {  	[dreg:$0x2] =	wrdreg s2  }
0xaf: {  	[dreg:$0x3] =	wrdreg s24  }
0xb0: {  	[dreg:$0x4] =	wrdreg $0x9  }
0xb1: {  	_ =	task.clear_ibuf [dreg:s7], $0x5FFFF;
	_ =	strace $0x90000046  }
0xb2: {  	s29 =	simm.s32 $0x9;
	_ =	strace $0x80000048  }
0xb3: {  	_ =	swait.ge [sflag:s29], $0x1  }
0xb4: {  	[sflag:s29] =	ssyncadd.s32 $0xFFFFFFFF  }
0xb5: {  	_ =	strace $0x90000048  }
0xb6: {  	_ =	sfence  }
0xb7: {  	s30 =	sld [smem:$0x0];
	_ =	sdelay $0x2  }
0xb8: {  	s31 =	sshll.u32 s1, $0xD;
	s1 =	sshrl.u32 s1, $0x2  }
0xb9: {  	s3 =	sand.u32 $0x4000, s31;
	s1 =	sadd.s32 s1, s30  }
0xba: {  	s0 =	sor.u32 s3, s0;
	s1 =	sshll.u32 s1, $0x11  }
0xbb: {  	s0 =	sor.u32 s1, s0  }
0xbc: {  	s0 =	sadd.s32 $0x8F2B, s0  }
0xbd: {  	[sflag:s0] =	ssyncadd.remote.s32 $0x1  }
0xbe: {  	_ =	sfence.sel $0xFFFF  }
0xbf: {  	[dreg:$0x0] =	wrdreg $0xFFFFFFFF;
	(pc) =	sbr.abs _section_cstart, $3  }
0xc0: {  	[dreg:$0x1] =	wrdreg $0xFFFFFFFF  }
0xc1: {  	_ =	task.clear_ibuf [dreg:s7], $0x2FFFF;
	_ =	strace $0x9FFFFFFF  }
0xc2: {  	(tm) =	ssettm $0x7FFFFFFF  }
0xc3: {  	_ =	shalt  }
tec
execute0_lowered:
.L_overlay_start_1:
0x0: {  	(tag) =	ssettag $0x1  }
0x1: {  	s2 =	rddreg [dreg:$0x0]  }
0x2: {  	s4 =	rddreg [dreg:$0x1]  }
0x3: {  	s0 =	rddreg [dreg:$0x2];
	s1 =	stileid.u32  }
0x4: {  	s5 =	srdreg.scid;
	s3 =	simm.s32 $0x0;
	s6 =	smul.u32 $0x2800, s1  }
0x5: {  	s10 =	simm.s32 $0x0;
	s5 =	sand.u32 $0x1, s5;
	s8 =	smul.u32 $0x28000, s1  }
0x6: {  	[smem:$0x7FF] =	sst s3;
	s7 =	smul.u32 $0x1400, s5;
	s9 =	ssub.s32 $0x2, s5  }
0x7: {  	_ =	strace $0x80000047;
	s5 =	smul.u32 $0x14000, s5;
	s31 =	sshrl.u32 s9, $0x1  }
0x8: {  	s8 =	sadd.s32 s8, s4;
	s6 =	sadd.s32 s7, s6;
	s7 =	ssub.s32 s9, s31  }
0x9: {  	s5 =	sadd.s32 s5, s8;
	s8 =	simm.s32 $0x80;
	s6 =	sshrl.u32 s6, $0x3  }
0xa: {  	s9 =	simm.s32 $0x1;
	s5 =	sadd.s32 $0x7C00, s5;
	s6 =	sadd.s32 s6, s4  }
0xb: {  	s4 =	smax.u32 s7, $0x1;
	s7 =	simm.s32 $0x2;
	s6 =	sadd.s32 $0x2C00, s6  }
.LBB2_1:
0xc: {  	s11 =	sadd.s32 $0x0, s6  }
0xd: {  	[tilespmem:s3], [sflag:$0x2] =	stream.linear.gather [hbm4b:s11+s3], $0x80, $0x38;
	[tilespmem:$0x4080] =	vst v63  }
0xe: {  	_ =	swait.ge [sflag:s7], $0x80  }
0xf: {  	[sflag:s7] =	ssyncset.done $0x0  }
0x10: {  	[sflag:s7] =	ssyncadd.s32 $0xFFFFFF80  }
0x11: {  	[tilespmem:s8], [sflag:$0x1] =	stream.indirect.gather [hbm4b:s2+s8], $0x80, s3, s8, $0xb8;
	[tilespmem:$0x4080] =	vst v63  }
0x12: {  	_ =	swait.ge [sflag:s9], $0x4000  }
0x13: {  	[sflag:s9] =	ssyncset.done $0x0  }
0x14: {  	[sflag:s9] =	ssyncadd.s32 $0xFFFFC000  }
0x15: {  	[hbm4b:s5+s3] =	stream.linear.scatter [tilespmem:s8], [sflag:$0x2], $0x4000, $0x38;
	[tilespmem:$0x4080] =	vst v63  }
0x16: {  	s12 =	simm.s32 $0x10;
	_ =	swait.ge [sflag:s7], $0x4000  }
0x17: {  	s13 =	simm.s32 $0x20;
	s11 =	sadd.s32 $0x800, s5;
	[sflag:s7] =	ssyncset.done $0x0  }
.LBB2_2:
0x18: {  	s14 =	sadd.s32 s12, s6  }
0x19: {  	[sflag:s7] =	ssyncadd.s32 $0xFFFFC000;
	s12 =	smov.u32 s13;
	s15 =	sadd.s32 $0x10, s13  }
0x1a: {  	[tilespmem:s3], [sflag:$0x2] =	stream.linear.gather [hbm4b:s14+s3], $0x80, $0x38;
	[tilespmem:$0x4080] =	vst v63  }
0x1b: {  	p0 =	sne.s32 s13, $0x270;
	_ =	swait.ge [sflag:s7], $0x80  }
0x1c: {  	[sflag:s7] =	ssyncset.done $0x0  }
0x1d: {  	[sflag:s7] =	ssyncadd.s32 $0xFFFFFF80  }
0x1e: {  	[tilespmem:s8], [sflag:$0x1] =	stream.indirect.gather [hbm4b:s2+s8], $0x80, s3, s8, $0xb8;
	[tilespmem:$0x4080] =	vst v63  }
0x1f: {  	_ =	swait.ge [sflag:s9], $0x4000  }
.Ltmp0:
0x20: {  	[sflag:s9] =	ssyncset.done $0x0;
	(pc) =	sbr.rel @p0 .LBB2_2-.Ltmp0, $4  }
0x21: {  	[sflag:s9] =	ssyncadd.s32 $0xFFFFC000  }
0x22: {  	[hbm4b:s11+s3] =	stream.linear.scatter [tilespmem:s8], [sflag:$0x2], $0x4000, $0x38;
	[tilespmem:$0x4080] =	vst v63  }
0x23: {  	_ =	swait.ge [sflag:s7], $0x4000  }
0x24: {  	s13 =	smov.u32 s15;
	s11 =	sadd.s32 $0x800, s11;
	[sflag:s7] =	ssyncset.done $0x0  }
0x25: {  	s12 =	sadd.s32 s12, s6;
	[sflag:s7] =	ssyncadd.s32 $0xFFFFC000  }
0x26: {  	[tilespmem:s3], [sflag:$0x2] =	stream.linear.gather [hbm4b:s12+s3], $0x80, $0x38;
	[tilespmem:$0x4080] =	vst v63  }
0x27: {  	_ =	swait.ge [sflag:s7], $0x80  }
0x28: {  	[sflag:s7] =	ssyncset.done $0x0  }
0x29: {  	[sflag:s7] =	ssyncadd.s32 $0xFFFFFF80  }
0x2a: {  	[tilespmem:s8], [sflag:$0x1] =	stream.indirect.gather [hbm4b:s2+s8], $0x80, s3, s8, $0xb8;
	[tilespmem:$0x4080] =	vst v63  }
0x2b: {  	s10 =	sadd.s32 $0x1, s10;
	_ =	swait.ge [sflag:s9], $0x4000  }
0x2c: {  	p0 =	sne.s32 s10, s4;
	[sflag:s9] =	ssyncset.done $0x0  }
.Ltmp1:
0x2d: {  	[sflag:s9] =	ssyncadd.s32 $0xFFFFC000;
	(pc) =	sbr.rel @p0 .LBB2_1-.Ltmp1, $4  }
0x2e: {  	[hbm4b:s11+s3] =	stream.linear.scatter [tilespmem:s8], [sflag:$0x2], $0x4000, $0x38;
	[tilespmem:$0x4080] =	vst v63  }
0x2f: {  	_ =	swait.ge [sflag:s7], $0x4000  }
0x30: {  	[sflag:s7] =	ssyncset.done $0x0  }
0x31: {  	[sflag:s7] =	ssyncadd.s32 $0xFFFFC000  }
0x32: {  	_ =	sfence.sel $0x180000  }
0x33: {  	[bflag:$0x0] =	sbarrier.arrive $0xFFFF  }
0x34: {  	p0 =	sne.s32 s1, $0x0;
	_ =	strace $0x90000047  }
0x35: {  	s0 =	sadd.s32 @!p0 $0x100000, s0;
	[bflag:$0x2] =	sbarrier.arrive $0xFFFF  }
0x36: {  	[sflag:s0] =	ssyncadd.tile.s32 @!p0 $0x1;
	_ =	shalt  }
.Lfunc_end2:
_tile_overlayer_lowered:
.L_overlay_start_2:
0x37: {  	(tag) =	ssettag $0x2  }
0x38: {  	s0 =	rddreg [dreg:$0x0];
	s2 =	stileid.u32  }
0x39: {  	s1 =	rddreg [dreg:$0x1];
	p0 =	sne.s32 s2, $0x0  }
0x3a: {  	s3 =	rddreg [dreg:$0x2];
	[bflag:$0x3] =	sbarrier.arrive $0xFFFF;
	s2 =	simm.s32 @!p0 $0x1C02  }
0x3b: {  	[timem:s3], [sflag:s2] =	dma.local @!p0 [hbm:s0], s1  }
0x3c: {  	s0 =	simm.s32 @!p0 $0x2  }
0x3d: {  	_ =	swait.ge @!p0 [sflag:s0], s1  }
0x3e: {  	s1 =	ssub.s32 @!p0 $0x0, s1;
	[sflag:s0] =	ssyncset.done @!p0 $0x0  }
0x3f: {  	[sflag:s0] =	ssyncadd.s32 @!p0 s1  }
0x40: {  	[bflag:$0x3] =	sbarrier.arrive $0xFFFF  }
0x41: {  	_ =	shalt  }

</sc_bundles>
